<compile_context>
chip_gen: v7x
topology: tpu7x:2x2x1
jax: 0.10.2.dev20260603
libtpu: 0.0.44.dev20260713+nightly
codegen_flags: <defaults>
</compile_context>

<pallas_src>
import jax
import jax.numpy as jnp
from jax import lax
from jax.experimental import pallas as pl
from jax.experimental.pallas import tpu as pltpu
from jax.experimental.pallas import tpu_sc as plsc

VOCAB = 1000000
DIM = 64
MAXLEN = 200
BATCH = 4096

NC, NS, L = 2, 16, 16
NW = NC * NS
CB = 256
NBC = BATCH // CB
WPB = NW // NBC
RPW = MAXLEN // WPB


def _body(xT_hbm, tok2_hbm, pos_hbm, out_hbm,
          idx0, idx1, pidx0, pidx1,
          gb0, gb1, ob, pos_v,
          sg0, sg1, ss0, ss1, si0, si1):
    wid = lax.axis_index("s") * NC + lax.axis_index("c")
    bc = wid // WPB
    r0 = (wid % WPB) * RPW
    bbase = bc * CB
    idxs, pidxs = (idx0, idx1), (pidx0, pidx1)
    gbs = (gb0, gb1)
    sis = (si0, si1)
    iota = lax.iota(jnp.int32, L)
    sgs, sss = (sg0, sg1), (ss0, ss1)

    pltpu.sync_copy(pos_hbm, pos_v)

    def idx_start(t, slot):
        r = r0 + t
        pltpu.async_copy(xT_hbm.at[r, pl.ds(bbase, CB)], idxs[slot],
                         sis[slot])

    def gather_start(t, slot):
        pltpu.make_async_copy(xT_hbm.at[0, pl.ds(bbase, CB)], idxs[slot],
                              sis[slot]).wait()
        for j in range(CB // L):
            s = pl.ds(j * L, L)
            pidxs[slot][s] = lax.shift_right_logical(idxs[slot][s], 1)
        pltpu.async_copy(tok2_hbm.at[pidxs[slot]], gbs[slot], sgs[slot])

    def gather_wait(slot):
        pltpu.make_async_copy(tok2_hbm.at[pidxs[slot]], gbs[slot],
                              sgs[slot]).wait()

    def store_start(t):
        r = r0 + t
        pltpu.async_copy(ob, out_hbm.at[pl.ds(bbase, CB), r], ss0)

    def store_wait():
        pltpu.make_async_copy(ob, out_hbm.at[pl.ds(bbase, CB), 0],
                              ss0).wait()

    idx_start(0, 0)
    gather_start(0, 0)
    idx_start(1, 1)

    @pl.loop(0, RPW, step=2)
    def _pair(k):
        for b in range(2):
            cur = k + b
            nb = 1 - b

            @pl.when(cur + 1 < RPW)
            def _():
                gather_start(cur + 1, nb)

            gather_wait(b)

            @pl.when(cur >= 1)
            def _():
                store_wait()

            r = r0 + cur
            pv = [pos_v[pl.ds(r * DIM + c * L, L)] for c in range(DIM // L)]
            gb, idxv = gbs[b], idxs[b]

            @plsc.parallel_loop(0, CB, unroll=4)
            def _row(i):
                jb = (i // L) * L
                hv = lax.bitwise_and(idxv[pl.ds(jb, L)], 1)
                hs = jax.lax.gather(
                    hv, (iota * 0 + (i - jb))[:, None],
                    jax.lax.GatherDimensionNumbers(
                        offset_dims=(), collapsed_slice_dims=(0,),
                        start_index_map=(0,)),
                    (1,), mode=jax.lax.GatherScatterMode.PROMISE_IN_BOUNDS)
                m = hs == 1
                for c in range(DIM // L):
                    lo = gb[i, pl.ds(c * L, L)]
                    hi = gb[i, pl.ds(DIM + c * L, L)]
                    ob[i, pl.ds(c * L, L)] = jnp.where(m, hi, lo) + pv[c]

            store_start(cur)

            @pl.when(cur + 2 < RPW)
            def _():
                idx_start(cur + 2, b)

    store_wait()


@jax.jit
def _run(xT, tok2, posf):
    mesh = plsc.VectorSubcoreMesh(core_axis_name="c", subcore_axis_name="s")
    return pl.kernel(
        _body,
        out_type=jax.ShapeDtypeStruct((BATCH, MAXLEN, DIM), jnp.float32),
        mesh=mesh,
        scratch_types=[
            pltpu.VMEM((CB,), jnp.int32),
            pltpu.VMEM((CB,), jnp.int32),
            pltpu.VMEM((CB,), jnp.int32),
            pltpu.VMEM((CB,), jnp.int32),
            pltpu.VMEM((CB, 2 * DIM), jnp.float32),
            pltpu.VMEM((CB, 2 * DIM), jnp.float32),
            pltpu.VMEM((CB, DIM), jnp.float32),
            pltpu.VMEM((MAXLEN * DIM,), jnp.float32),
            pltpu.SemaphoreType.DMA,
            pltpu.SemaphoreType.DMA,
            pltpu.SemaphoreType.DMA,
            pltpu.SemaphoreType.DMA,
            pltpu.SemaphoreType.DMA,
            pltpu.SemaphoreType.DMA,
        ],
        compiler_params=pltpu.CompilerParams(use_tc_tiling_on_sc=True,
                                             needs_layout_passes=False),
    )(xT, tok2, posf)


def kernel(x, token_table, pos_table):
    xT = jnp.swapaxes(x.astype(jnp.int32), 0, 1)
    tok2 = token_table.reshape(VOCAB // 2, 2 * DIM)
    return _run(xT, tok2, pos_table.reshape(-1))

# --- scband reference (transcript-rebuilt; emitter-appended) ---
"""Pipeline reference for scband-token-and-position-embedding-49211735277682 (READ-ONLY COPY).

The authoritative reference and input builder live on the scoring server;
editing this copy changes nothing except your own understanding.
"""

import jax, jax.numpy as jnp
import numpy as np

VOCAB = 1000000
DIM = 64
MAXLEN = 200
BATCH = 4096

def setup_inputs(seed: int = 0) -> dict:
    key = jax.random.key(seed)
    k1, k2, k3 = jax.random.split(key, 3)
    x = jax.random.randint(k1, (BATCH, MAXLEN), 0, VOCAB, dtype=jnp.int64 if jax.config.jax_enable_x64 else jnp.int32)
    token_table = jax.random.normal(k2, (VOCAB, DIM), dtype=jnp.float32) * 0.02
    pos_table = jax.random.normal(k3, (MAXLEN, DIM), dtype=jnp.float32) * 0.02
    return {"x": x, "token_table": token_table, "pos_table": pos_table}

def reference(x, token_table, pos_table):
    maxlen = x.shape[-1]
    positions = jnp.arange(0, maxlen, dtype=jnp.int32)
    pos_emb = jnp.take(pos_table, positions, axis=0)  # [maxlen, dim]
    tok_emb = jnp.take(token_table, x, axis=0)        # [batch, maxlen, dim]
    return tok_emb + pos_emb[None, :, :]

if __name__ == "__main__":
    import jax
    _d = setup_inputs()
    print(jax.jit(kernel)(*tuple(_d.values())))

</pallas_src>

<mosaic_0001>
#map = affine_map<(d0, d1) -> (0, 0)>
#map1 = affine_map<(d0, d1) -> (0)>
#map2 = affine_map<(d0, d1) -> (0, 0, 0)>
module attributes {stable_mosaic.version = 14 : i64} {
  func.func @_body(%arg0: i32, %arg1: i32, %arg2: memref<200x4096xi32, #tpu.memory_space<hbm>>, %arg3: memref<500000x128xf32, #tpu.memory_space<hbm>>, %arg4: memref<12800xf32, #tpu.memory_space<hbm>>, %arg5: memref<4096x200x64xf32, #tpu.memory_space<hbm>>, %arg6: memref<256xi32, #tpu.memory_space<vmem>>, %arg7: memref<256xi32, #tpu.memory_space<vmem>>, %arg8: memref<256xi32, #tpu.memory_space<vmem>>, %arg9: memref<256xi32, #tpu.memory_space<vmem>>, %arg10: memref<256x128xf32, #tpu.memory_space<vmem>>, %arg11: memref<256x128xf32, #tpu.memory_space<vmem>>, %arg12: memref<256x64xf32, #tpu.memory_space<vmem>>, %arg13: memref<12800xf32, #tpu.memory_space<vmem>>, %arg14: memref<!tpu.dma_semaphore, #tpu.memory_space<semaphore_mem>>, %arg15: memref<!tpu.dma_semaphore, #tpu.memory_space<semaphore_mem>>, %arg16: memref<!tpu.dma_semaphore, #tpu.memory_space<semaphore_mem>>, %arg17: memref<!tpu.dma_semaphore, #tpu.memory_space<semaphore_mem>>, %arg18: memref<!tpu.dma_semaphore, #tpu.memory_space<semaphore_mem>>, %arg19: memref<!tpu.dma_semaphore, #tpu.memory_space<semaphore_mem>>) attributes {dimension_semantics = [#tpu.dimension_semantics<core_parallel>, #tpu.dimension_semantics<subcore_parallel>], iteration_bounds = array<i64: 2, 16>, scalar_prefetch = 0 : i64, scratch_operands = 14 : i64, tpu.core_type = #tpu.core_type<sc_vector_subcore>, window_params = [{transform_indices = #map}, {transform_indices = #map}, {transform_indices = #map1}, {transform_indices = #map2}]} {
    %mul3A = arith.constant 2 : i32
    %mul3A_0 = arith.muli %arg1, %mul3A : i32
    %add3A = arith.addi %mul3A_0, %arg0 : i32
    %jit3A = arith.constant 2 : i32
    %div3A = arith.divsi %add3A, %jit3A : i32
    %sign3A = arith.constant 0 : i32
    %sign3A_1 = arith.cmpi sgt, %add3A, %sign3A : i32
    %sign3A_2 = arith.extui %sign3A_1 : i1 to i32
    %sign3A_3 = arith.constant 0 : i32
    %sign3A_4 = arith.cmpi slt, %add3A, %sign3A_3 : i32
    %sign3A_5 = arith.extui %sign3A_4 : i1 to i32
    %sign3A_6 = arith.subi %sign3A_2, %sign3A_5 : i32
    %sign3A_7 = arith.constant 0 : i32
    %sign3A_8 = arith.cmpi sgt, %jit3A, %sign3A_7 : i32
    %sign3A_9 = arith.extui %sign3A_8 : i1 to i32
    %sign3A_10 = arith.constant 0 : i32
    %sign3A_11 = arith.cmpi slt, %jit3A, %sign3A_10 : i32
    %sign3A_12 = arith.extui %sign3A_11 : i1 to i32
    %sign3A_13 = arith.subi %sign3A_9, %sign3A_12 : i32
    %ne3A = arith.cmpi ne, %sign3A_6, %sign3A_13 : i32
    %rem3A = arith.remsi %add3A, %jit3A : i32
    %ne3A_14 = arith.constant 0 : i32
    %ne3A_15 = arith.cmpi ne, %rem3A, %ne3A_14 : i32
    %and3A = arith.andi %ne3A, %ne3A_15 : i1
    %sub3A = arith.constant 1 : i32
    %sub3A_16 = arith.subi %div3A, %sub3A : i32
    %select_n3A = arith.select %and3A, %sub3A_16, %div3A : i32
    %jit3A_17 = arith.constant 2 : i32
    %eq3A = arith.constant 0 : i32
    %eq3A_18 = arith.cmpi eq, %jit3A_17, %eq3A : i32
    %jit3A_19 = arith.constant 1 : i32
    %select_n3A_20 = arith.select %eq3A_18, %jit3A_19, %jit3A_17 : i32
    %rem3A_21 = arith.remsi %add3A, %select_n3A_20 : i32
    %ne3A_22 = arith.constant 0 : i32
    %ne3A_23 = arith.cmpi ne, %rem3A_21, %ne3A_22 : i32
    %lt3A = arith.constant 0 : i32
    %lt3A_24 = arith.cmpi slt, %rem3A_21, %lt3A : i32
    %lt3A_25 = arith.constant 0 : i32
    %lt3A_26 = arith.cmpi slt, %select_n3A_20, %lt3A_25 : i32
    %ne3A_27 = arith.xori %lt3A_24, %lt3A_26 : i1
    %and3A_28 = arith.andi %ne3A_27, %ne3A_23 : i1
    %add3A_29 = arith.addi %rem3A_21, %select_n3A_20 : i32
    %select_n3A_30 = arith.select %and3A_28, %add3A_29, %rem3A_21 : i32
    %mul3A_31 = arith.constant 100 : i32
    %mul3A_32 = arith.muli %select_n3A_30, %mul3A_31 : i32
    %mul3A_33 = arith.constant 256 : i32
    %mul3A_34 = arith.muli %select_n3A, %mul3A_33 : i32
    %iota3A = tpu.iota {dimensions = array<i32: 0>} : vector<16xi32>
    "tpu.region"() ({
      %run_scoped3A = tpu.sem_alloc : memref<!tpu.dma_semaphore, #tpu.memory_space<semaphore_mem>>
      tpu.enqueue_dma source(%arg4 : memref<12800xf32, #tpu.memory_space<hbm>>) target(%arg13 : memref<12800xf32, #tpu.memory_space<vmem>>) target_semaphore(%run_scoped3A : memref<!tpu.dma_semaphore, #tpu.memory_space<semaphore_mem>>)
      tpu.wait_dma2 semaphore(%run_scoped3A : memref<!tpu.dma_semaphore, #tpu.memory_space<semaphore_mem>>) src(%arg4 : memref<12800xf32, #tpu.memory_space<hbm>>) dst(%arg13 : memref<12800xf32, #tpu.memory_space<vmem>>)
      tpu.yield
    }) : () -> ()
    %add3A_35 = arith.constant 0 : i32
    %add3A_36 = arith.addi %mul3A_32, %add3A_35 : i32
    %dma_start3A = tpu.memref_slice %arg2[%add3A_36, %mul3A_34] : memref<200x4096xi32, #tpu.memory_space<hbm>> -> memref<1x256xi32, #tpu.memory_space<hbm>>
    %dma_start3A_37 = tpu.memref_squeeze %dma_start3A : memref<1x256xi32, #tpu.memory_space<hbm>> -> memref<256xi32, #tpu.memory_space<hbm>>
    %dma_start3A_38 = tpu.memref_slice %arg2[%add3A_36, %mul3A_34] : memref<200x4096xi32, #tpu.memory_space<hbm>> -> memref<1x256xi32, #tpu.memory_space<hbm>>
    %dma_start3A_39 = tpu.memref_squeeze %dma_start3A_38 : memref<1x256xi32, #tpu.memory_space<hbm>> -> memref<256xi32, #tpu.memory_space<hbm>>
    tpu.enqueue_dma source(%dma_start3A_39 : memref<256xi32, #tpu.memory_space<hbm>>) target(%arg6 : memref<256xi32, #tpu.memory_space<vmem>>) target_semaphore(%arg18 : memref<!tpu.dma_semaphore, #tpu.memory_space<semaphore_mem>>)
    %dma_wait3A = arith.constant 0 : i32
    %dma_wait3A_40 = tpu.memref_slice %arg2[%dma_wait3A, %mul3A_34] : memref<200x4096xi32, #tpu.memory_space<hbm>> -> memref<1x256xi32, #tpu.memory_space<hbm>>
    %dma_wait3A_41 = tpu.memref_squeeze %dma_wait3A_40 : memref<1x256xi32, #tpu.memory_space<hbm>> -> memref<256xi32, #tpu.memory_space<hbm>>
    %dma_wait3A_42 = tpu.memref_slice %arg2[%dma_wait3A, %mul3A_34] : memref<200x4096xi32, #tpu.memory_space<hbm>> -> memref<1x256xi32, #tpu.memory_space<hbm>>
    %dma_wait3A_43 = tpu.memref_squeeze %dma_wait3A_42 : memref<1x256xi32, #tpu.memory_space<hbm>> -> memref<256xi32, #tpu.memory_space<hbm>>
    tpu.wait_dma2 semaphore(%arg18 : memref<!tpu.dma_semaphore, #tpu.memory_space<semaphore_mem>>) src(%dma_wait3A_43 : memref<256xi32, #tpu.memory_space<hbm>>) dst(%arg6 : memref<256xi32, #tpu.memory_space<vmem>>)
    %get3A = arith.constant 0 : index
    %get3A_44 = tpu.vector_load %arg6[%get3A] {strides = array<i32>} : memref<256xi32, #tpu.memory_space<vmem>>, vector<16xi32>,
    %shift_right_logical3A = arith.constant 1 : i32
    %shift_right_logical3A_45 = vector.broadcast %shift_right_logical3A : i32 to vector<16xi32>
    %shift_right_logical3A_46 = arith.shrui %get3A_44, %shift_right_logical3A_45 : vector<16xi32>
    %swap3A = arith.constant 0 : index
    %swap3A_47 = tpu.vector_load %arg8[%swap3A] {strides = array<i32>} : memref<256xi32, #tpu.memory_space<vmem>>, vector<16xi32>,
    tpu.vector_store %arg8[%swap3A], %shift_right_logical3A_46 {strides = array<i32>} : memref<256xi32, #tpu.memory_space<vmem>>, vector<16xi32>,
    %get3A_48 = arith.constant 16 : index
    %get3A_49 = tpu.vector_load %arg6[%get3A_48] {strides = array<i32>} : memref<256xi32, #tpu.memory_space<vmem>>, vector<16xi32>,
    %shift_right_logical3A_50 = arith.constant 1 : i32
    %shift_right_logical3A_51 = vector.broadcast %shift_right_logical3A_50 : i32 to vector<16xi32>
    %shift_right_logical3A_52 = arith.shrui %get3A_49, %shift_right_logical3A_51 : vector<16xi32>
    %swap3A_53 = arith.constant 16 : index
    %swap3A_54 = tpu.vector_load %arg8[%swap3A_53] {strides = array<i32>} : memref<256xi32, #tpu.memory_space<vmem>>, vector<16xi32>,
    tpu.vector_store %arg8[%swap3A_53], %shift_right_logical3A_52 {strides = array<i32>} : memref<256xi32, #tpu.memory_space<vmem>>, vector<16xi32>,
    %get3A_55 = arith.constant 32 : index
    %get3A_56 = tpu.vector_load %arg6[%get3A_55] {strides = array<i32>} : memref<256xi32, #tpu.memory_space<vmem>>, vector<16xi32>,
    %shift_right_logical3A_57 = arith.constant 1 : i32
    %shift_right_logical3A_58 = vector.broadcast %shift_right_logical3A_57 : i32 to vector<16xi32>
    %shift_right_logical3A_59 = arith.shrui %get3A_56, %shift_right_logical3A_58 : vector<16xi32>
    %swap3A_60 = arith.constant 32 : index
    %swap3A_61 = tpu.vector_load %arg8[%swap3A_60] {strides = array<i32>} : memref<256xi32, #tpu.memory_space<vmem>>, vector<16xi32>,
    tpu.vector_store %arg8[%swap3A_60], %shift_right_logical3A_59 {strides = array<i32>} : memref<256xi32, #tpu.memory_space<vmem>>, vector<16xi32>,
    %get3A_62 = arith.constant 48 : index
    %get3A_63 = tpu.vector_load %arg6[%get3A_62] {strides = array<i32>} : memref<256xi32, #tpu.memory_space<vmem>>, vector<16xi32>,
    %shift_right_logical3A_64 = arith.constant 1 : i32
    %shift_right_logical3A_65 = vector.broadcast %shift_right_logical3A_64 : i32 to vector<16xi32>
    %shift_right_logical3A_66 = arith.shrui %get3A_63, %shift_right_logical3A_65 : vector<16xi32>
    %swap3A_67 = arith.constant 48 : index
    %swap3A_68 = tpu.vector_load %arg8[%swap3A_67] {strides = array<i32>} : memref<256xi32, #tpu.memory_space<vmem>>, vector<16xi32>,
    tpu.vector_store %arg8[%swap3A_67], %shift_right_logical3A_66 {strides = array<i32>} : memref<256xi32, #tpu.memory_space<vmem>>, vector<16xi32>,
    %get3A_69 = arith.constant 64 : index
    %get3A_70 = tpu.vector_load %arg6[%get3A_69] {strides = array<i32>} : memref<256xi32, #tpu.memory_space<vmem>>, vector<16xi32>,
    %shift_right_logical3A_71 = arith.constant 1 : i32
    %shift_right_logical3A_72 = vector.broadcast %shift_right_logical3A_71 : i32 to vector<16xi32>
    %shift_right_logical3A_73 = arith.shrui %get3A_70, %shift_right_logical3A_72 : vector<16xi32>
    %swap3A_74 = arith.constant 64 : index
    %swap3A_75 = tpu.vector_load %arg8[%swap3A_74] {strides = array<i32>} : memref<256xi32, #tpu.memory_space<vmem>>, vector<16xi32>,
    tpu.vector_store %arg8[%swap3A_74], %shift_right_logical3A_73 {strides = array<i32>} : memref<256xi32, #tpu.memory_space<vmem>>, vector<16xi32>,
    %get3A_76 = arith.constant 80 : index
    %get3A_77 = tpu.vector_load %arg6[%get3A_76] {strides = array<i32>} : memref<256xi32, #tpu.memory_space<vmem>>, vector<16xi32>,
    %shift_right_logical3A_78 = arith.constant 1 : i32
    %shift_right_logical3A_79 = vector.broadcast %shift_right_logical3A_78 : i32 to vector<16xi32>
    %shift_right_logical3A_80 = arith.shrui %get3A_77, %shift_right_logical3A_79 : vector<16xi32>
    %swap3A_81 = arith.constant 80 : index
    %swap3A_82 = tpu.vector_load %arg8[%swap3A_81] {strides = array<i32>} : memref<256xi32, #tpu.memory_space<vmem>>, vector<16xi32>,
    tpu.vector_store %arg8[%swap3A_81], %shift_right_logical3A_80 {strides = array<i32>} : memref<256xi32, #tpu.memory_space<vmem>>, vector<16xi32>,
    %get3A_83 = arith.constant 96 : index
    %get3A_84 = tpu.vector_load %arg6[%get3A_83] {strides = array<i32>} : memref<256xi32, #tpu.memory_space<vmem>>, vector<16xi32>,
    %shift_right_logical3A_85 = arith.constant 1 : i32
    %shift_right_logical3A_86 = vector.broadcast %shift_right_logical3A_85 : i32 to vector<16xi32>
    %shift_right_logical3A_87 = arith.shrui %get3A_84, %shift_right_logical3A_86 : vector<16xi32>
    %swap3A_88 = arith.constant 96 : index
    %swap3A_89 = tpu.vector_load %arg8[%swap3A_88] {strides = array<i32>} : memref<256xi32, #tpu.memory_space<vmem>>, vector<16xi32>,
    tpu.vector_store %arg8[%swap3A_88], %shift_right_logical3A_87 {strides = array<i32>} : memref<256xi32, #tpu.memory_space<vmem>>, vector<16xi32>,
    %get3A_90 = arith.constant 112 : index
    %get3A_91 = tpu.vector_load %arg6[%get3A_90] {strides = array<i32>} : memref<256xi32, #tpu.memory_space<vmem>>, vector<16xi32>,
    %shift_right_logical3A_92 = arith.constant 1 : i32
    %shift_right_logical3A_93 = vector.broadcast %shift_right_logical3A_92 : i32 to vector<16xi32>
    %shift_right_logical3A_94 = arith.shrui %get3A_91, %shift_right_logical3A_93 : vector<16xi32>
    %swap3A_95 = arith.constant 112 : index
    %swap3A_96 = tpu.vector_load %arg8[%swap3A_95] {strides = array<i32>} : memref<256xi32, #tpu.memory_space<vmem>>, vector<16xi32>,
    tpu.vector_store %arg8[%swap3A_95], %shift_right_logical3A_94 {strides = array<i32>} : memref<256xi32, #tpu.memory_space<vmem>>, vector<16xi32>,
    %get3A_97 = arith.constant 128 : index
    %get3A_98 = tpu.vector_load %arg6[%get3A_97] {strides = array<i32>} : memref<256xi32, #tpu.memory_space<vmem>>, vector<16xi32>,
    %shift_right_logical3A_99 = arith.constant 1 : i32
    %shift_right_logical3A_100 = vector.broadcast %shift_right_logical3A_99 : i32 to vector<16xi32>
    %shift_right_logical3A_101 = arith.shrui %get3A_98, %shift_right_logical3A_100 : vector<16xi32>
    %swap3A_102 = arith.constant 128 : index
    %swap3A_103 = tpu.vector_load %arg8[%swap3A_102] {strides = array<i32>} : memref<256xi32, #tpu.memory_space<vmem>>, vector<16xi32>,
    tpu.vector_store %arg8[%swap3A_102], %shift_right_logical3A_101 {strides = array<i32>} : memref<256xi32, #tpu.memory_space<vmem>>, vector<16xi32>,
    %get3A_104 = arith.constant 144 : index
    %get3A_105 = tpu.vector_load %arg6[%get3A_104] {strides = array<i32>} : memref<256xi32, #tpu.memory_space<vmem>>, vector<16xi32>,
    %shift_right_logical3A_106 = arith.constant 1 : i32
    %shift_right_logical3A_107 = vector.broadcast %shift_right_logical3A_106 : i32 to vector<16xi32>
    %shift_right_logical3A_108 = arith.shrui %get3A_105, %shift_right_logical3A_107 : vector<16xi32>
    %swap3A_109 = arith.constant 144 : index
    %swap3A_110 = tpu.vector_load %arg8[%swap3A_109] {strides = array<i32>} : memref<256xi32, #tpu.memory_space<vmem>>, vector<16xi32>,
    tpu.vector_store %arg8[%swap3A_109], %shift_right_logical3A_108 {strides = array<i32>} : memref<256xi32, #tpu.memory_space<vmem>>, vector<16xi32>,
    %get3A_111 = arith.constant 160 : index
    %get3A_112 = tpu.vector_load %arg6[%get3A_111] {strides = array<i32>} : memref<256xi32, #tpu.memory_space<vmem>>, vector<16xi32>,
    %shift_right_logical3A_113 = arith.constant 1 : i32
    %shift_right_logical3A_114 = vector.broadcast %shift_right_logical3A_113 : i32 to vector<16xi32>
    %shift_right_logical3A_115 = arith.shrui %get3A_112, %shift_right_logical3A_114 : vector<16xi32>
    %swap3A_116 = arith.constant 160 : index
    %swap3A_117 = tpu.vector_load %arg8[%swap3A_116] {strides = array<i32>} : memref<256xi32, #tpu.memory_space<vmem>>, vector<16xi32>,
    tpu.vector_store %arg8[%swap3A_116], %shift_right_logical3A_115 {strides = array<i32>} : memref<256xi32, #tpu.memory_space<vmem>>, vector<16xi32>,
    %get3A_118 = arith.constant 176 : index
    %get3A_119 = tpu.vector_load %arg6[%get3A_118] {strides = array<i32>} : memref<256xi32, #tpu.memory_space<vmem>>, vector<16xi32>,
    %shift_right_logical3A_120 = arith.constant 1 : i32
    %shift_right_logical3A_121 = vector.broadcast %shift_right_logical3A_120 : i32 to vector<16xi32>
    %shift_right_logical3A_122 = arith.shrui %get3A_119, %shift_right_logical3A_121 : vector<16xi32>
    %swap3A_123 = arith.constant 176 : index
    %swap3A_124 = tpu.vector_load %arg8[%swap3A_123] {strides = array<i32>} : memref<256xi32, #tpu.memory_space<vmem>>, vector<16xi32>,
    tpu.vector_store %arg8[%swap3A_123], %shift_right_logical3A_122 {strides = array<i32>} : memref<256xi32, #tpu.memory_space<vmem>>, vector<16xi32>,
    %get3A_125 = arith.constant 192 : index
    %get3A_126 = tpu.vector_load %arg6[%get3A_125] {strides = array<i32>} : memref<256xi32, #tpu.memory_space<vmem>>, vector<16xi32>,
    %shift_right_logical3A_127 = arith.constant 1 : i32
    %shift_right_logical3A_128 = vector.broadcast %shift_right_logical3A_127 : i32 to vector<16xi32>
    %shift_right_logical3A_129 = arith.shrui %get3A_126, %shift_right_logical3A_128 : vector<16xi32>
    %swap3A_130 = arith.constant 192 : index
    %swap3A_131 = tpu.vector_load %arg8[%swap3A_130] {strides = array<i32>} : memref<256xi32, #tpu.memory_space<vmem>>, vector<16xi32>,
    tpu.vector_store %arg8[%swap3A_130], %shift_right_logical3A_129 {strides = array<i32>} : memref<256xi32, #tpu.memory_space<vmem>>, vector<16xi32>,
    %get3A_132 = arith.constant 208 : index
    %get3A_133 = tpu.vector_load %arg6[%get3A_132] {strides = array<i32>} : memref<256xi32, #tpu.memory_space<vmem>>, vector<16xi32>,
    %shift_right_logical3A_134 = arith.constant 1 : i32
    %shift_right_logical3A_135 = vector.broadcast %shift_right_logical3A_134 : i32 to vector<16xi32>
    %shift_right_logical3A_136 = arith.shrui %get3A_133, %shift_right_logical3A_135 : vector<16xi32>
    %swap3A_137 = arith.constant 208 : index
    %swap3A_138 = tpu.vector_load %arg8[%swap3A_137] {strides = array<i32>} : memref<256xi32, #tpu.memory_space<vmem>>, vector<16xi32>,
    tpu.vector_store %arg8[%swap3A_137], %shift_right_logical3A_136 {strides = array<i32>} : memref<256xi32, #tpu.memory_space<vmem>>, vector<16xi32>,
    %get3A_139 = arith.constant 224 : index
    %get3A_140 = tpu.vector_load %arg6[%get3A_139] {strides = array<i32>} : memref<256xi32, #tpu.memory_space<vmem>>, vector<16xi32>,
    %shift_right_logical3A_141 = arith.constant 1 : i32
    %shift_right_logical3A_142 = vector.broadcast %shift_right_logical3A_141 : i32 to vector<16xi32>
    %shift_right_logical3A_143 = arith.shrui %get3A_140, %shift_right_logical3A_142 : vector<16xi32>
    %swap3A_144 = arith.constant 224 : index
    %swap3A_145 = tpu.vector_load %arg8[%swap3A_144] {strides = array<i32>} : memref<256xi32, #tpu.memory_space<vmem>>, vector<16xi32>,
    tpu.vector_store %arg8[%swap3A_144], %shift_right_logical3A_143 {strides = array<i32>} : memref<256xi32, #tpu.memory_space<vmem>>, vector<16xi32>,
    %get3A_146 = arith.constant 240 : index
    %get3A_147 = tpu.vector_load %arg6[%get3A_146] {strides = array<i32>} : memref<256xi32, #tpu.memory_space<vmem>>, vector<16xi32>,
    %shift_right_logical3A_148 = arith.constant 1 : i32
    %shift_right_logical3A_149 = vector.broadcast %shift_right_logical3A_148 : i32 to vector<16xi32>
    %shift_right_logical3A_150 = arith.shrui %get3A_147, %shift_right_logical3A_149 : vector<16xi32>
    %swap3A_151 = arith.constant 240 : index
    %swap3A_152 = tpu.vector_load %arg8[%swap3A_151] {strides = array<i32>} : memref<256xi32, #tpu.memory_space<vmem>>, vector<16xi32>,
    tpu.vector_store %arg8[%swap3A_151], %shift_right_logical3A_150 {strides = array<i32>} : memref<256xi32, #tpu.memory_space<vmem>>, vector<16xi32>,
    %dma_start3A_153 = arith.constant 0 : i32
    %dma_start3A_154 = arith.constant 0 : i32
    %dma_start3A_155 = tpu.memref_slice %arg3[%dma_start3A_153, %dma_start3A_154] : memref<500000x128xf32, #tpu.memory_space<hbm>> -> memref<500000x128xf32, #tpu.memory_space<hbm>>
    tpu.enqueue_indirect_dma source(%dma_start3A_155 : memref<500000x128xf32, #tpu.memory_space<hbm>>) target(%arg10 : memref<256x128xf32, #tpu.memory_space<vmem>>) offsets(%arg8 : memref<256xi32, #tpu.memory_space<vmem>>) semaphore(%arg14 : memref<!tpu.dma_semaphore, #tpu.memory_space<semaphore_mem>>)
    %add3A_156 = arith.constant 1 : i32
    %add3A_157 = arith.addi %mul3A_32, %add3A_156 : i32
    %dma_start3A_158 = tpu.memref_slice %arg2[%add3A_157, %mul3A_34] : memref<200x4096xi32, #tpu.memory_space<hbm>> -> memref<1x256xi32, #tpu.memory_space<hbm>>
    %dma_start3A_159 = tpu.memref_squeeze %dma_start3A_158 : memref<1x256xi32, #tpu.memory_space<hbm>> -> memref<256xi32, #tpu.memory_space<hbm>>
    %dma_start3A_160 = tpu.memref_slice %arg2[%add3A_157, %mul3A_34] : memref<200x4096xi32, #tpu.memory_space<hbm>> -> memref<1x256xi32, #tpu.memory_space<hbm>>
    %dma_start3A_161 = tpu.memref_squeeze %dma_start3A_160 : memref<1x256xi32, #tpu.memory_space<hbm>> -> memref<256xi32, #tpu.memory_space<hbm>>
    tpu.enqueue_dma source(%dma_start3A_161 : memref<256xi32, #tpu.memory_space<hbm>>) target(%arg7 : memref<256xi32, #tpu.memory_space<vmem>>) target_semaphore(%arg19 : memref<!tpu.dma_semaphore, #tpu.memory_space<semaphore_mem>>)
    %scan3A = arith.constant 0 : i32
    %scan3A_162 = arith.constant 50 : i32
    %scan3A_163 = arith.addi %scan3A, %scan3A_162 : i32
    %scan3A_164 = arith.constant 1 : i32
    scf.for %scan3A_173 = %scan3A to %scan3A_163 step %scan3A_164  : i32 {
      %mul3A_174 = arith.constant 2 : i32
      %mul3A_175 = arith.muli %scan3A_173, %mul3A_174 : i32
      %add3A_176 = arith.constant 0 : i32
      %add3A_177 = arith.addi %add3A_176, %mul3A_175 : i32
      %add3A_178 = arith.constant 0 : i32
      %add3A_179 = arith.addi %add3A_177, %add3A_178 : i32
      %add3A_180 = arith.constant 1 : i32
      %add3A_181 = arith.addi %add3A_179, %add3A_180 : i32
      %lt3A_182 = arith.constant 100 : i32
      %lt3A_183 = arith.cmpi slt, %add3A_181, %lt3A_182 : i32
      %convert_element_type3A = arith.extui %lt3A_183 : i1 to i32
      %cond3A = arith.constant 0 : i32
      %cond3A_184 = arith.cmpi ne, %convert_element_type3A, %cond3A : i32
      scf.if %cond3A_184 {
        %add3A_292 = arith.constant 1 : i32
        %add3A_293 = arith.addi %add3A_179, %add3A_292 : i32
        %dma_wait3A_294 = arith.constant 0 : i32
        %dma_wait3A_295 = tpu.memref_slice %arg2[%dma_wait3A_294, %mul3A_34] : memref<200x4096xi32, #tpu.memory_space<hbm>> -> memref<1x256xi32, #tpu.memory_space<hbm>>
        %dma_wait3A_296 = tpu.memref_squeeze %dma_wait3A_295 : memref<1x256xi32, #tpu.memory_space<hbm>> -> memref<256xi32, #tpu.memory_space<hbm>>
        %dma_wait3A_297 = tpu.memref_slice %arg2[%dma_wait3A_294, %mul3A_34] : memref<200x4096xi32, #tpu.memory_space<hbm>> -> memref<1x256xi32, #tpu.memory_space<hbm>>
        %dma_wait3A_298 = tpu.memref_squeeze %dma_wait3A_297 : memref<1x256xi32, #tpu.memory_space<hbm>> -> memref<256xi32, #tpu.memory_space<hbm>>
        tpu.wait_dma2 semaphore(%arg19 : memref<!tpu.dma_semaphore, #tpu.memory_space<semaphore_mem>>) src(%dma_wait3A_298 : memref<256xi32, #tpu.memory_space<hbm>>) dst(%arg7 : memref<256xi32, #tpu.memory_space<vmem>>)
        %get3A_299 = arith.constant 0 : index
        %get3A_300 = tpu.vector_load %arg7[%get3A_299] {strides = array<i32>} : memref<256xi32, #tpu.memory_space<vmem>>, vector<16xi32>,
        %shift_right_logical3A_301 = arith.constant 1 : i32
        %shift_right_logical3A_302 = vector.broadcast %shift_right_logical3A_301 : i32 to vector<16xi32>
        %shift_right_logical3A_303 = arith.shrui %get3A_300, %shift_right_logical3A_302 : vector<16xi32>
        %swap3A_304 = arith.constant 0 : index
        %swap3A_305 = tpu.vector_load %arg9[%swap3A_304] {strides = array<i32>} : memref<256xi32, #tpu.memory_space<vmem>>, vector<16xi32>,
        tpu.vector_store %arg9[%swap3A_304], %shift_right_logical3A_303 {strides = array<i32>} : memref<256xi32, #tpu.memory_space<vmem>>, vector<16xi32>,
        %get3A_306 = arith.constant 16 : index
        %get3A_307 = tpu.vector_load %arg7[%get3A_306] {strides = array<i32>} : memref<256xi32, #tpu.memory_space<vmem>>, vector<16xi32>,
        %shift_right_logical3A_308 = arith.constant 1 : i32
        %shift_right_logical3A_309 = vector.broadcast %shift_right_logical3A_308 : i32 to vector<16xi32>
        %shift_right_logical3A_310 = arith.shrui %get3A_307, %shift_right_logical3A_309 : vector<16xi32>
        %swap3A_311 = arith.constant 16 : index
        %swap3A_312 = tpu.vector_load %arg9[%swap3A_311] {strides = array<i32>} : memref<256xi32, #tpu.memory_space<vmem>>, vector<16xi32>,
        tpu.vector_store %arg9[%swap3A_311], %shift_right_logical3A_310 {strides = array<i32>} : memref<256xi32, #tpu.memory_space<vmem>>, vector<16xi32>,
        %get3A_313 = arith.constant 32 : index
        %get3A_314 = tpu.vector_load %arg7[%get3A_313] {strides = array<i32>} : memref<256xi32, #tpu.memory_space<vmem>>, vector<16xi32>,
        %shift_right_logical3A_315 = arith.constant 1 : i32
        %shift_right_logical3A_316 = vector.broadcast %shift_right_logical3A_315 : i32 to vector<16xi32>
        %shift_right_logical3A_317 = arith.shrui %get3A_314, %shift_right_logical3A_316 : vector<16xi32>
        %swap3A_318 = arith.constant 32 : index
        %swap3A_319 = tpu.vector_load %arg9[%swap3A_318] {strides = array<i32>} : memref<256xi32, #tpu.memory_space<vmem>>, vector<16xi32>,
        tpu.vector_store %arg9[%swap3A_318], %shift_right_logical3A_317 {strides = array<i32>} : memref<256xi32, #tpu.memory_space<vmem>>, vector<16xi32>,
        %get3A_320 = arith.constant 48 : index
        %get3A_321 = tpu.vector_load %arg7[%get3A_320] {strides = array<i32>} : memref<256xi32, #tpu.memory_space<vmem>>, vector<16xi32>,
        %shift_right_logical3A_322 = arith.constant 1 : i32
        %shift_right_logical3A_323 = vector.broadcast %shift_right_logical3A_322 : i32 to vector<16xi32>
        %shift_right_logical3A_324 = arith.shrui %get3A_321, %shift_right_logical3A_323 : vector<16xi32>
        %swap3A_325 = arith.constant 48 : index
        %swap3A_326 = tpu.vector_load %arg9[%swap3A_325] {strides = array<i32>} : memref<256xi32, #tpu.memory_space<vmem>>, vector<16xi32>,
        tpu.vector_store %arg9[%swap3A_325], %shift_right_logical3A_324 {strides = array<i32>} : memref<256xi32, #tpu.memory_space<vmem>>, vector<16xi32>,
        %get3A_327 = arith.constant 64 : index
        %get3A_328 = tpu.vector_load %arg7[%get3A_327] {strides = array<i32>} : memref<256xi32, #tpu.memory_space<vmem>>, vector<16xi32>,
        %shift_right_logical3A_329 = arith.constant 1 : i32
        %shift_right_logical3A_330 = vector.broadcast %shift_right_logical3A_329 : i32 to vector<16xi32>
        %shift_right_logical3A_331 = arith.shrui %get3A_328, %shift_right_logical3A_330 : vector<16xi32>
        %swap3A_332 = arith.constant 64 : index
        %swap3A_333 = tpu.vector_load %arg9[%swap3A_332] {strides = array<i32>} : memref<256xi32, #tpu.memory_space<vmem>>, vector<16xi32>,
        tpu.vector_store %arg9[%swap3A_332], %shift_right_logical3A_331 {strides = array<i32>} : memref<256xi32, #tpu.memory_space<vmem>>, vector<16xi32>,
        %get3A_334 = arith.constant 80 : index
        %get3A_335 = tpu.vector_load %arg7[%get3A_334] {strides = array<i32>} : memref<256xi32, #tpu.memory_space<vmem>>, vector<16xi32>,
        %shift_right_logical3A_336 = arith.constant 1 : i32
        %shift_right_logical3A_337 = vector.broadcast %shift_right_logical3A_336 : i32 to vector<16xi32>
        %shift_right_logical3A_338 = arith.shrui %get3A_335, %shift_right_logical3A_337 : vector<16xi32>
        %swap3A_339 = arith.constant 80 : index
        %swap3A_340 = tpu.vector_load %arg9[%swap3A_339] {strides = array<i32>} : memref<256xi32, #tpu.memory_space<vmem>>, vector<16xi32>,
        tpu.vector_store %arg9[%swap3A_339], %shift_right_logical3A_338 {strides = array<i32>} : memref<256xi32, #tpu.memory_space<vmem>>, vector<16xi32>,
        %get3A_341 = arith.constant 96 : index
        %get3A_342 = tpu.vector_load %arg7[%get3A_341] {strides = array<i32>} : memref<256xi32, #tpu.memory_space<vmem>>, vector<16xi32>,
        %shift_right_logical3A_343 = arith.constant 1 : i32
        %shift_right_logical3A_344 = vector.broadcast %shift_right_logical3A_343 : i32 to vector<16xi32>
        %shift_right_logical3A_345 = arith.shrui %get3A_342, %shift_right_logical3A_344 : vector<16xi32>
        %swap3A_346 = arith.constant 96 : index
        %swap3A_347 = tpu.vector_load %arg9[%swap3A_346] {strides = array<i32>} : memref<256xi32, #tpu.memory_space<vmem>>, vector<16xi32>,
        tpu.vector_store %arg9[%swap3A_346], %shift_right_logical3A_345 {strides = array<i32>} : memref<256xi32, #tpu.memory_space<vmem>>, vector<16xi32>,
        %get3A_348 = arith.constant 112 : index
        %get3A_349 = tpu.vector_load %arg7[%get3A_348] {strides = array<i32>} : memref<256xi32, #tpu.memory_space<vmem>>, vector<16xi32>,
        %shift_right_logical3A_350 = arith.constant 1 : i32
        %shift_right_logical3A_351 = vector.broadcast %shift_right_logical3A_350 : i32 to vector<16xi32>
        %shift_right_logical3A_352 = arith.shrui %get3A_349, %shift_right_logical3A_351 : vector<16xi32>
        %swap3A_353 = arith.constant 112 : index
        %swap3A_354 = tpu.vector_load %arg9[%swap3A_353] {strides = array<i32>} : memref<256xi32, #tpu.memory_space<vmem>>, vector<16xi32>,
        tpu.vector_store %arg9[%swap3A_353], %shift_right_logical3A_352 {strides = array<i32>} : memref<256xi32, #tpu.memory_space<vmem>>, vector<16xi32>,
        %get3A_355 = arith.constant 128 : index
        %get3A_356 = tpu.vector_load %arg7[%get3A_355] {strides = array<i32>} : memref<256xi32, #tpu.memory_space<vmem>>, vector<16xi32>,
        %shift_right_logical3A_357 = arith.constant 1 : i32
        %shift_right_logical3A_358 = vector.broadcast %shift_right_logical3A_357 : i32 to vector<16xi32>
        %shift_right_logical3A_359 = arith.shrui %get3A_356, %shift_right_logical3A_358 : vector<16xi32>
        %swap3A_360 = arith.constant 128 : index
        %swap3A_361 = tpu.vector_load %arg9[%swap3A_360] {strides = array<i32>} : memref<256xi32, #tpu.memory_space<vmem>>, vector<16xi32>,
        tpu.vector_store %arg9[%swap3A_360], %shift_right_logical3A_359 {strides = array<i32>} : memref<256xi32, #tpu.memory_space<vmem>>, vector<16xi32>,
        %get3A_362 = arith.constant 144 : index
        %get3A_363 = tpu.vector_load %arg7[%get3A_362] {strides = array<i32>} : memref<256xi32, #tpu.memory_space<vmem>>, vector<16xi32>,
        %shift_right_logical3A_364 = arith.constant 1 : i32
        %shift_right_logical3A_365 = vector.broadcast %shift_right_logical3A_364 : i32 to vector<16xi32>
        %shift_right_logical3A_366 = arith.shrui %get3A_363, %shift_right_logical3A_365 : vector<16xi32>
        %swap3A_367 = arith.constant 144 : index
        %swap3A_368 = tpu.vector_load %arg9[%swap3A_367] {strides = array<i32>} : memref<256xi32, #tpu.memory_space<vmem>>, vector<16xi32>,
        tpu.vector_store %arg9[%swap3A_367], %shift_right_logical3A_366 {strides = array<i32>} : memref<256xi32, #tpu.memory_space<vmem>>, vector<16xi32>,
        %get3A_369 = arith.constant 160 : index
        %get3A_370 = tpu.vector_load %arg7[%get3A_369] {strides = array<i32>} : memref<256xi32, #tpu.memory_space<vmem>>, vector<16xi32>,
        %shift_right_logical3A_371 = arith.constant 1 : i32
        %shift_right_logical3A_372 = vector.broadcast %shift_right_logical3A_371 : i32 to vector<16xi32>
        %shift_right_logical3A_373 = arith.shrui %get3A_370, %shift_right_logical3A_372 : vector<16xi32>
        %swap3A_374 = arith.constant 160 : index
        %swap3A_375 = tpu.vector_load %arg9[%swap3A_374] {strides = array<i32>} : memref<256xi32, #tpu.memory_space<vmem>>, vector<16xi32>,
        tpu.vector_store %arg9[%swap3A_374], %shift_right_logical3A_373 {strides = array<i32>} : memref<256xi32, #tpu.memory_space<vmem>>, vector<16xi32>,
        %get3A_376 = arith.constant 176 : index
        %get3A_377 = tpu.vector_load %arg7[%get3A_376] {strides = array<i32>} : memref<256xi32, #tpu.memory_space<vmem>>, vector<16xi32>,
        %shift_right_logical3A_378 = arith.constant 1 : i32
        %shift_right_logical3A_379 = vector.broadcast %shift_right_logical3A_378 : i32 to vector<16xi32>
        %shift_right_logical3A_380 = arith.shrui %get3A_377, %shift_right_logical3A_379 : vector<16xi32>
        %swap3A_381 = arith.constant 176 : index
        %swap3A_382 = tpu.vector_load %arg9[%swap3A_381] {strides = array<i32>} : memref<256xi32, #tpu.memory_space<vmem>>, vector<16xi32>,
        tpu.vector_store %arg9[%swap3A_381], %shift_right_logical3A_380 {strides = array<i32>} : memref<256xi32, #tpu.memory_space<vmem>>, vector<16xi32>,
        %get3A_383 = arith.constant 192 : index
        %get3A_384 = tpu.vector_load %arg7[%get3A_383] {strides = array<i32>} : memref<256xi32, #tpu.memory_space<vmem>>, vector<16xi32>,
        %shift_right_logical3A_385 = arith.constant 1 : i32
        %shift_right_logical3A_386 = vector.broadcast %shift_right_logical3A_385 : i32 to vector<16xi32>
        %shift_right_logical3A_387 = arith.shrui %get3A_384, %shift_right_logical3A_386 : vector<16xi32>
        %swap3A_388 = arith.constant 192 : index
        %swap3A_389 = tpu.vector_load %arg9[%swap3A_388] {strides = array<i32>} : memref<256xi32, #tpu.memory_space<vmem>>, vector<16xi32>,
        tpu.vector_store %arg9[%swap3A_388], %shift_right_logical3A_387 {strides = array<i32>} : memref<256xi32, #tpu.memory_space<vmem>>, vector<16xi32>,
        %get3A_390 = arith.constant 208 : index
        %get3A_391 = tpu.vector_load %arg7[%get3A_390] {strides = array<i32>} : memref<256xi32, #tpu.memory_space<vmem>>, vector<16xi32>,
        %shift_right_logical3A_392 = arith.constant 1 : i32
        %shift_right_logical3A_393 = vector.broadcast %shift_right_logical3A_392 : i32 to vector<16xi32>
        %shift_right_logical3A_394 = arith.shrui %get3A_391, %shift_right_logical3A_393 : vector<16xi32>
        %swap3A_395 = arith.constant 208 : index
        %swap3A_396 = tpu.vector_load %arg9[%swap3A_395] {strides = array<i32>} : memref<256xi32, #tpu.memory_space<vmem>>, vector<16xi32>,
        tpu.vector_store %arg9[%swap3A_395], %shift_right_logical3A_394 {strides = array<i32>} : memref<256xi32, #tpu.memory_space<vmem>>, vector<16xi32>,
        %get3A_397 = arith.constant 224 : index
        %get3A_398 = tpu.vector_load %arg7[%get3A_397] {strides = array<i32>} : memref<256xi32, #tpu.memory_space<vmem>>, vector<16xi32>,
        %shift_right_logical3A_399 = arith.constant 1 : i32
        %shift_right_logical3A_400 = vector.broadcast %shift_right_logical3A_399 : i32 to vector<16xi32>
        %shift_right_logical3A_401 = arith.shrui %get3A_398, %shift_right_logical3A_400 : vector<16xi32>
        %swap3A_402 = arith.constant 224 : index
        %swap3A_403 = tpu.vector_load %arg9[%swap3A_402] {strides = array<i32>} : memref<256xi32, #tpu.memory_space<vmem>>, vector<16xi32>,
        tpu.vector_store %arg9[%swap3A_402], %shift_right_logical3A_401 {strides = array<i32>} : memref<256xi32, #tpu.memory_space<vmem>>, vector<16xi32>,
        %get3A_404 = arith.constant 240 : index
        %get3A_405 = tpu.vector_load %arg7[%get3A_404] {strides = array<i32>} : memref<256xi32, #tpu.memory_space<vmem>>, vector<16xi32>,
        %shift_right_logical3A_406 = arith.constant 1 : i32
        %shift_right_logical3A_407 = vector.broadcast %shift_right_logical3A_406 : i32 to vector<16xi32>
        %shift_right_logical3A_408 = arith.shrui %get3A_405, %shift_right_logical3A_407 : vector<16xi32>
        %swap3A_409 = arith.constant 240 : index
        %swap3A_410 = tpu.vector_load %arg9[%swap3A_409] {strides = array<i32>} : memref<256xi32, #tpu.memory_space<vmem>>, vector<16xi32>,
        tpu.vector_store %arg9[%swap3A_409], %shift_right_logical3A_408 {strides = array<i32>} : memref<256xi32, #tpu.memory_space<vmem>>, vector<16xi32>,
        %dma_start3A_411 = arith.constant 0 : i32
        %dma_start3A_412 = arith.constant 0 : i32
        %dma_start3A_413 = tpu.memref_slice %arg3[%dma_start3A_411, %dma_start3A_412] : memref<500000x128xf32, #tpu.memory_space<hbm>> -> memref<500000x128xf32, #tpu.memory_space<hbm>>
        tpu.enqueue_indirect_dma source(%dma_start3A_413 : memref<500000x128xf32, #tpu.memory_space<hbm>>) target(%arg11 : memref<256x128xf32, #tpu.memory_space<vmem>>) offsets(%arg9 : memref<256xi32, #tpu.memory_space<vmem>>) semaphore(%arg15 : memref<!tpu.dma_semaphore, #tpu.memory_space<semaphore_mem>>)
      } else {
      }
      %dma_wait3A_185 = arith.constant 0 : i32
      %dma_wait3A_186 = arith.constant 0 : i32
      %dma_wait3A_187 = tpu.memref_slice %arg3[%dma_wait3A_185, %dma_wait3A_186] : memref<500000x128xf32, #tpu.memory_space<hbm>> -> memref<500000x128xf32, #tpu.memory_space<hbm>>
      tpu.wait_indirect_dma semaphore(%arg14 : memref<!tpu.dma_semaphore, #tpu.memory_space<semaphore_mem>>) src(%dma_wait3A_187 : memref<500000x128xf32, #tpu.memory_space<hbm>>) dst(%arg10 : memref<256x128xf32, #tpu.memory_space<vmem>>)
      %ge3A = arith.constant 1 : i32
      %ge3A_188 = arith.cmpi sge, %add3A_179, %ge3A : i32
      %convert_element_type3A_189 = arith.extui %ge3A_188 : i1 to i32
      %cond3A_190 = arith.constant 0 : i32
      %cond3A_191 = arith.cmpi ne, %convert_element_type3A_189, %cond3A_190 : i32
      scf.if %cond3A_191 {
        %dma_wait3A_292 = arith.constant 0 : i32
        %dma_wait3A_293 = arith.constant 0 : i32
        %dma_wait3A_294 = tpu.memref_slice %arg5[%mul3A_34, %dma_wait3A_292, %dma_wait3A_293] : memref<4096x200x64xf32, #tpu.memory_space<hbm>> -> memref<256x1x64xf32, #tpu.memory_space<hbm>>
        %dma_wait3A_295 = tpu.memref_squeeze %dma_wait3A_294 : memref<256x1x64xf32, #tpu.memory_space<hbm>> -> memref<256x64xf32, #tpu.memory_space<hbm>>
        %dma_wait3A_296 = arith.constant 0 : i32
        %dma_wait3A_297 = tpu.memref_slice %arg5[%mul3A_34, %dma_wait3A_292, %dma_wait3A_296] : memref<4096x200x64xf32, #tpu.memory_space<hbm>> -> memref<256x1x64xf32, #tpu.memory_space<hbm>>
        %dma_wait3A_298 = tpu.memref_squeeze %dma_wait3A_297 : memref<256x1x64xf32, #tpu.memory_space<hbm>> -> memref<256x64xf32, #tpu.memory_space<hbm>>
        tpu.wait_dma2 semaphore(%arg16 : memref<!tpu.dma_semaphore, #tpu.memory_space<semaphore_mem>>) src(%arg12 : memref<256x64xf32, #tpu.memory_space<vmem>>) dst(%dma_wait3A_298 : memref<256x64xf32, #tpu.memory_space<hbm>>)
      } else {
      }
      %add3A_192 = arith.addi %mul3A_32, %add3A_179 : i32
      %mul3A_193 = arith.constant 64 : i32
      %mul3A_194 = arith.muli %add3A_192, %mul3A_193 : i32
      %add3A_195 = arith.constant 0 : i32
      %add3A_196 = arith.addi %mul3A_194, %add3A_195 : i32
      %get3A_197 = arith.index_cast %add3A_196 : i32 to index
      %get3A_198 = tpu.vector_load %arg13[%get3A_197] {strides = array<i32>} : memref<12800xf32, #tpu.memory_space<vmem>>, vector<16xf32>,
      %mul3A_199 = arith.constant 64 : i32
      %mul3A_200 = arith.muli %add3A_192, %mul3A_199 : i32
      %add3A_201 = arith.constant 16 : i32
      %add3A_202 = arith.addi %mul3A_200, %add3A_201 : i32
      %get3A_203 = arith.index_cast %add3A_202 : i32 to index
      %get3A_204 = tpu.vector_load %arg13[%get3A_203] {strides = array<i32>} : memref<12800xf32, #tpu.memory_space<vmem>>, vector<16xf32>,
      %mul3A_205 = arith.constant 64 : i32
      %mul3A_206 = arith.muli %add3A_192, %mul3A_205 : i32
      %add3A_207 = arith.constant 32 : i32
      %add3A_208 = arith.addi %mul3A_206, %add3A_207 : i32
      %get3A_209 = arith.index_cast %add3A_208 : i32 to index
      %get3A_210 = tpu.vector_load %arg13[%get3A_209] {strides = array<i32>} : memref<12800xf32, #tpu.memory_space<vmem>>, vector<16xf32>,
      %mul3A_211 = arith.constant 64 : i32
      %mul3A_212 = arith.muli %add3A_192, %mul3A_211 : i32
      %add3A_213 = arith.constant 48 : i32
      %add3A_214 = arith.addi %mul3A_212, %add3A_213 : i32
      %get3A_215 = arith.index_cast %add3A_214 : i32 to index
      %get3A_216 = tpu.vector_load %arg13[%get3A_215] {strides = array<i32>} : memref<12800xf32, #tpu.memory_space<vmem>>, vector<16xf32>,
      %parallel_loop3A = arith.constant 0 : i32
      %parallel_loop3A_217 = arith.constant 256 : i32
      %parallel_loop3A_218 = arith.constant 1 : i32
      scf.for %parallel_loop3A_292 = %parallel_loop3A to %parallel_loop3A_217 step %parallel_loop3A_218  : i32 {
        %parallel_loop3A_293 = arith.constant 16 : i32
        %parallel_loop3A_294 = arith.divsi %parallel_loop3A_292, %parallel_loop3A_293 : i32
        %parallel_loop3A_295 = arith.constant 0 : i32
        %parallel_loop3A_296 = arith.cmpi sgt, %parallel_loop3A_292, %parallel_loop3A_295 : i32
        %parallel_loop3A_297 = arith.extui %parallel_loop3A_296 : i1 to i32
        %parallel_loop3A_298 = arith.constant 0 : i32
        %parallel_loop3A_299 = arith.cmpi slt, %parallel_loop3A_292, %parallel_loop3A_298 : i32
        %parallel_loop3A_300 = arith.extui %parallel_loop3A_299 : i1 to i32
        %parallel_loop3A_301 = arith.subi %parallel_loop3A_297, %parallel_loop3A_300 : i32
        %parallel_loop3A_302 = arith.constant 0 : i32
        %parallel_loop3A_303 = arith.cmpi sgt, %parallel_loop3A_293, %parallel_loop3A_302 : i32
        %parallel_loop3A_304 = arith.extui %parallel_loop3A_303 : i1 to i32
        %parallel_loop3A_305 = arith.constant 0 : i32
        %parallel_loop3A_306 = arith.cmpi slt, %parallel_loop3A_293, %parallel_loop3A_305 : i32
        %parallel_loop3A_307 = arith.extui %parallel_loop3A_306 : i1 to i32
        %parallel_loop3A_308 = arith.subi %parallel_loop3A_304, %parallel_loop3A_307 : i32
        %parallel_loop3A_309 = arith.cmpi ne, %parallel_loop3A_301, %parallel_loop3A_308 : i32
        %parallel_loop3A_310 = arith.remsi %parallel_loop3A_292, %parallel_loop3A_293 : i32
        %parallel_loop3A_311 = arith.constant 0 : i32
        %parallel_loop3A_312 = arith.cmpi ne, %parallel_loop3A_310, %parallel_loop3A_311 : i32
        %parallel_loop3A_313 = arith.andi %parallel_loop3A_309, %parallel_loop3A_312 : i1
        %parallel_loop3A_314 = arith.constant 1 : i32
        %parallel_loop3A_315 = arith.subi %parallel_loop3A_294, %parallel_loop3A_314 : i32
        %parallel_loop3A_316 = arith.select %parallel_loop3A_313, %parallel_loop3A_315, %parallel_loop3A_294 : i32
        %parallel_loop3A_317 = arith.constant 16 : i32
        %parallel_loop3A_318 = arith.muli %parallel_loop3A_316, %parallel_loop3A_317 : i32
        %parallel_loop3A_319 = arith.index_cast %parallel_loop3A_318 : i32 to index
        %parallel_loop3A_320 = tpu.vector_load %arg6[%parallel_loop3A_319] {strides = array<i32>} : memref<256xi32, #tpu.memory_space<vmem>>, vector<16xi32>,
        %parallel_loop3A_321 = arith.constant 1 : i32
        %parallel_loop3A_322 = vector.broadcast %parallel_loop3A_321 : i32 to vector<16xi32>
        %parallel_loop3A_323 = arith.andi %parallel_loop3A_320, %parallel_loop3A_322 : vector<16xi32>
        %parallel_loop3A_324 = arith.constant 0 : i32
        %parallel_loop3A_325 = vector.broadcast %parallel_loop3A_324 : i32 to vector<16xi32>
        %parallel_loop3A_326 = arith.muli %iota3A, %parallel_loop3A_325 : vector<16xi32>
        %parallel_loop3A_327 = arith.subi %parallel_loop3A_292, %parallel_loop3A_318 : i32
        %parallel_loop3A_328 = vector.broadcast %parallel_loop3A_327 : i32 to vector<16xi32>
        %parallel_loop3A_329 = arith.addi %parallel_loop3A_326, %parallel_loop3A_328 : vector<16xi32>
        %parallel_loop3A_330 = vector.shape_cast %parallel_loop3A_329 : vector<16xi32> to vector<16x1xi32>
        %parallel_loop3A_331 = vector.shape_cast %parallel_loop3A_330 : vector<16x1xi32> to vector<16xi32>
        %parallel_loop3A_332 = tpu.dynamic_gather %parallel_loop3A_323[%parallel_loop3A_331] in [0] : vector<16xi32>, vector<16xi32> -> vector<16xi32>
        %parallel_loop3A_333 = arith.constant 1 : i32
        %parallel_loop3A_334 = vector.broadcast %parallel_loop3A_333 : i32 to vector<16xi32>
        %parallel_loop3A_335 = arith.cmpi eq, %parallel_loop3A_332, %parallel_loop3A_334 : vector<16xi32>
        %parallel_loop3A_336 = arith.index_cast %parallel_loop3A_292 : i32 to index
        %parallel_loop3A_337 = arith.constant 0 : index
        %parallel_loop3A_338 = tpu.vector_load %arg10[%parallel_loop3A_336, %parallel_loop3A_337] {strides = array<i32>} : memref<256x128xf32, #tpu.memory_space<vmem>>, vector<16xf32>,
        %parallel_loop3A_339 = arith.index_cast %parallel_loop3A_292 : i32 to index
        %parallel_loop3A_340 = arith.constant 64 : index
        %parallel_loop3A_341 = tpu.vector_load %arg10[%parallel_loop3A_339, %parallel_loop3A_340] {strides = array<i32>} : memref<256x128xf32, #tpu.memory_space<vmem>>, vector<16xf32>,
        %parallel_loop3A_342 = arith.select %parallel_loop3A_335, %parallel_loop3A_341, %parallel_loop3A_338 : vector<16xi1>, vector<16xf32>
        %parallel_loop3A_343 = arith.addf %parallel_loop3A_342, %get3A_198 : vector<16xf32>
        %parallel_loop3A_344 = arith.index_cast %parallel_loop3A_292 : i32 to index
        %parallel_loop3A_345 = arith.constant 0 : index
        %parallel_loop3A_346 = tpu.vector_load %arg12[%parallel_loop3A_344, %parallel_loop3A_345] {strides = array<i32>} : memref<256x64xf32, #tpu.memory_space<vmem>>, vector<16xf32>,
        tpu.vector_store %arg12[%parallel_loop3A_344, %parallel_loop3A_345], %parallel_loop3A_343 {strides = array<i32>} : memref<256x64xf32, #tpu.memory_space<vmem>>, vector<16xf32>,
        %parallel_loop3A_347 = arith.index_cast %parallel_loop3A_292 : i32 to index
        %parallel_loop3A_348 = arith.constant 16 : index
        %parallel_loop3A_349 = tpu.vector_load %arg10[%parallel_loop3A_347, %parallel_loop3A_348] {strides = array<i32>} : memref<256x128xf32, #tpu.memory_space<vmem>>, vector<16xf32>,
        %parallel_loop3A_350 = arith.index_cast %parallel_loop3A_292 : i32 to index
        %parallel_loop3A_351 = arith.constant 80 : index
        %parallel_loop3A_352 = tpu.vector_load %arg10[%parallel_loop3A_350, %parallel_loop3A_351] {strides = array<i32>} : memref<256x128xf32, #tpu.memory_space<vmem>>, vector<16xf32>,
        %parallel_loop3A_353 = arith.select %parallel_loop3A_335, %parallel_loop3A_352, %parallel_loop3A_349 : vector<16xi1>, vector<16xf32>
        %parallel_loop3A_354 = arith.addf %parallel_loop3A_353, %get3A_204 : vector<16xf32>
        %parallel_loop3A_355 = arith.index_cast %parallel_loop3A_292 : i32 to index
        %parallel_loop3A_356 = arith.constant 16 : index
        %parallel_loop3A_357 = tpu.vector_load %arg12[%parallel_loop3A_355, %parallel_loop3A_356] {strides = array<i32>} : memref<256x64xf32, #tpu.memory_space<vmem>>, vector<16xf32>,
        tpu.vector_store %arg12[%parallel_loop3A_355, %parallel_loop3A_356], %parallel_loop3A_354 {strides = array<i32>} : memref<256x64xf32, #tpu.memory_space<vmem>>, vector<16xf32>,
        %parallel_loop3A_358 = arith.index_cast %parallel_loop3A_292 : i32 to index
        %parallel_loop3A_359 = arith.constant 32 : index
        %parallel_loop3A_360 = tpu.vector_load %arg10[%parallel_loop3A_358, %parallel_loop3A_359] {strides = array<i32>} : memref<256x128xf32, #tpu.memory_space<vmem>>, vector<16xf32>,
        %parallel_loop3A_361 = arith.index_cast %parallel_loop3A_292 : i32 to index
        %parallel_loop3A_362 = arith.constant 96 : index
        %parallel_loop3A_363 = tpu.vector_load %arg10[%parallel_loop3A_361, %parallel_loop3A_362] {strides = array<i32>} : memref<256x128xf32, #tpu.memory_space<vmem>>, vector<16xf32>,
        %parallel_loop3A_364 = arith.select %parallel_loop3A_335, %parallel_loop3A_363, %parallel_loop3A_360 : vector<16xi1>, vector<16xf32>
        %parallel_loop3A_365 = arith.addf %parallel_loop3A_364, %get3A_210 : vector<16xf32>
        %parallel_loop3A_366 = arith.index_cast %parallel_loop3A_292 : i32 to index
        %parallel_loop3A_367 = arith.constant 32 : index
        %parallel_loop3A_368 = tpu.vector_load %arg12[%parallel_loop3A_366, %parallel_loop3A_367] {strides = array<i32>} : memref<256x64xf32, #tpu.memory_space<vmem>>, vector<16xf32>,
        tpu.vector_store %arg12[%parallel_loop3A_366, %parallel_loop3A_367], %parallel_loop3A_365 {strides = array<i32>} : memref<256x64xf32, #tpu.memory_space<vmem>>, vector<16xf32>,
        %parallel_loop3A_369 = arith.index_cast %parallel_loop3A_292 : i32 to index
        %parallel_loop3A_370 = arith.constant 48 : index
        %parallel_loop3A_371 = tpu.vector_load %arg10[%parallel_loop3A_369, %parallel_loop3A_370] {strides = array<i32>} : memref<256x128xf32, #tpu.memory_space<vmem>>, vector<16xf32>,
        %parallel_loop3A_372 = arith.index_cast %parallel_loop3A_292 : i32 to index
        %parallel_loop3A_373 = arith.constant 112 : index
        %parallel_loop3A_374 = tpu.vector_load %arg10[%parallel_loop3A_372, %parallel_loop3A_373] {strides = array<i32>} : memref<256x128xf32, #tpu.memory_space<vmem>>, vector<16xf32>,
        %parallel_loop3A_375 = arith.select %parallel_loop3A_335, %parallel_loop3A_374, %parallel_loop3A_371 : vector<16xi1>, vector<16xf32>
        %parallel_loop3A_376 = arith.addf %parallel_loop3A_375, %get3A_216 : vector<16xf32>
        %parallel_loop3A_377 = arith.index_cast %parallel_loop3A_292 : i32 to index
        %parallel_loop3A_378 = arith.constant 48 : index
        %parallel_loop3A_379 = tpu.vector_load %arg12[%parallel_loop3A_377, %parallel_loop3A_378] {strides = array<i32>} : memref<256x64xf32, #tpu.memory_space<vmem>>, vector<16xf32>,
        tpu.vector_store %arg12[%parallel_loop3A_377, %parallel_loop3A_378], %parallel_loop3A_376 {strides = array<i32>} : memref<256x64xf32, #tpu.memory_space<vmem>>, vector<16xf32>,
      } {sc.loop_unroll_factor = 4 : i64, sc.parallel_access}
      %add3A_219 = arith.addi %mul3A_32, %add3A_179 : i32
      %dma_start3A_220 = arith.constant 0 : i32
      %dma_start3A_221 = tpu.memref_slice %arg5[%mul3A_34, %add3A_219, %dma_start3A_220] : memref<4096x200x64xf32, #tpu.memory_space<hbm>> -> memref<256x1x64xf32, #tpu.memory_space<hbm>>
      %dma_start3A_222 = tpu.memref_squeeze %dma_start3A_221 : memref<256x1x64xf32, #tpu.memory_space<hbm>> -> memref<256x64xf32, #tpu.memory_space<hbm>>
      %dma_start3A_223 = arith.constant 0 : i32
      %dma_start3A_224 = tpu.memref_slice %arg5[%mul3A_34, %add3A_219, %dma_start3A_223] : memref<4096x200x64xf32, #tpu.memory_space<hbm>> -> memref<256x1x64xf32, #tpu.memory_space<hbm>>
      %dma_start3A_225 = tpu.memref_squeeze %dma_start3A_224 : memref<256x1x64xf32, #tpu.memory_space<hbm>> -> memref<256x64xf32, #tpu.memory_space<hbm>>
      tpu.enqueue_dma source(%arg12 : memref<256x64xf32, #tpu.memory_space<vmem>>) target(%dma_start3A_225 : memref<256x64xf32, #tpu.memory_space<hbm>>) target_semaphore(%arg16 : memref<!tpu.dma_semaphore, #tpu.memory_space<semaphore_mem>>)
      %add3A_226 = arith.constant 2 : i32
      %add3A_227 = arith.addi %add3A_179, %add3A_226 : i32
      %lt3A_228 = arith.constant 100 : i32
      %lt3A_229 = arith.cmpi slt, %add3A_227, %lt3A_228 : i32
      %convert_element_type3A_230 = arith.extui %lt3A_229 : i1 to i32
      %cond3A_231 = arith.constant 0 : i32
      %cond3A_232 = arith.cmpi ne, %convert_element_type3A_230, %cond3A_231 : i32
      scf.if %cond3A_232 {
        %add3A_292 = arith.constant 2 : i32
        %add3A_293 = arith.addi %add3A_179, %add3A_292 : i32
        %add3A_294 = arith.addi %mul3A_32, %add3A_293 : i32
        %dma_start3A_295 = tpu.memref_slice %arg2[%add3A_294, %mul3A_34] : memref<200x4096xi32, #tpu.memory_space<hbm>> -> memref<1x256xi32, #tpu.memory_space<hbm>>
        %dma_start3A_296 = tpu.memref_squeeze %dma_start3A_295 : memref<1x256xi32, #tpu.memory_space<hbm>> -> memref<256xi32, #tpu.memory_space<hbm>>
        %dma_start3A_297 = tpu.memref_slice %arg2[%add3A_294, %mul3A_34] : memref<200x4096xi32, #tpu.memory_space<hbm>> -> memref<1x256xi32, #tpu.memory_space<hbm>>
        %dma_start3A_298 = tpu.memref_squeeze %dma_start3A_297 : memref<1x256xi32, #tpu.memory_space<hbm>> -> memref<256xi32, #tpu.memory_space<hbm>>
        tpu.enqueue_dma source(%dma_start3A_298 : memref<256xi32, #tpu.memory_space<hbm>>) target(%arg6 : memref<256xi32, #tpu.memory_space<vmem>>) target_semaphore(%arg18 : memref<!tpu.dma_semaphore, #tpu.memory_space<semaphore_mem>>)
      } else {
      }
      %add3A_233 = arith.constant 1 : i32
      %add3A_234 = arith.addi %add3A_177, %add3A_233 : i32
      %add3A_235 = arith.constant 1 : i32
      %add3A_236 = arith.addi %add3A_234, %add3A_235 : i32
      %lt3A_237 = arith.constant 100 : i32
      %lt3A_238 = arith.cmpi slt, %add3A_236, %lt3A_237 : i32
      %convert_element_type3A_239 = arith.extui %lt3A_238 : i1 to i32
      %cond3A_240 = arith.constant 0 : i32
      %cond3A_241 = arith.cmpi ne, %convert_element_type3A_239, %cond3A_240 : i32
      scf.if %cond3A_241 {
        %add3A_292 = arith.constant 1 : i32
        %add3A_293 = arith.addi %add3A_234, %add3A_292 : i32
        %dma_wait3A_294 = arith.constant 0 : i32
        %dma_wait3A_295 = tpu.memref_slice %arg2[%dma_wait3A_294, %mul3A_34] : memref<200x4096xi32, #tpu.memory_space<hbm>> -> memref<1x256xi32, #tpu.memory_space<hbm>>
        %dma_wait3A_296 = tpu.memref_squeeze %dma_wait3A_295 : memref<1x256xi32, #tpu.memory_space<hbm>> -> memref<256xi32, #tpu.memory_space<hbm>>
        %dma_wait3A_297 = tpu.memref_slice %arg2[%dma_wait3A_294, %mul3A_34] : memref<200x4096xi32, #tpu.memory_space<hbm>> -> memref<1x256xi32, #tpu.memory_space<hbm>>
        %dma_wait3A_298 = tpu.memref_squeeze %dma_wait3A_297 : memref<1x256xi32, #tpu.memory_space<hbm>> -> memref<256xi32, #tpu.memory_space<hbm>>
        tpu.wait_dma2 semaphore(%arg18 : memref<!tpu.dma_semaphore, #tpu.memory_space<semaphore_mem>>) src(%dma_wait3A_298 : memref<256xi32, #tpu.memory_space<hbm>>) dst(%arg6 : memref<256xi32, #tpu.memory_space<vmem>>)
        %get3A_299 = arith.constant 0 : index
        %get3A_300 = tpu.vector_load %arg6[%get3A_299] {strides = array<i32>} : memref<256xi32, #tpu.memory_space<vmem>>, vector<16xi32>,
        %shift_right_logical3A_301 = arith.constant 1 : i32
        %shift_right_logical3A_302 = vector.broadcast %shift_right_logical3A_301 : i32 to vector<16xi32>
        %shift_right_logical3A_303 = arith.shrui %get3A_300, %shift_right_logical3A_302 : vector<16xi32>
        %swap3A_304 = arith.constant 0 : index
        %swap3A_305 = tpu.vector_load %arg8[%swap3A_304] {strides = array<i32>} : memref<256xi32, #tpu.memory_space<vmem>>, vector<16xi32>,
        tpu.vector_store %arg8[%swap3A_304], %shift_right_logical3A_303 {strides = array<i32>} : memref<256xi32, #tpu.memory_space<vmem>>, vector<16xi32>,
        %get3A_306 = arith.constant 16 : index
        %get3A_307 = tpu.vector_load %arg6[%get3A_306] {strides = array<i32>} : memref<256xi32, #tpu.memory_space<vmem>>, vector<16xi32>,
        %shift_right_logical3A_308 = arith.constant 1 : i32
        %shift_right_logical3A_309 = vector.broadcast %shift_right_logical3A_308 : i32 to vector<16xi32>
        %shift_right_logical3A_310 = arith.shrui %get3A_307, %shift_right_logical3A_309 : vector<16xi32>
        %swap3A_311 = arith.constant 16 : index
        %swap3A_312 = tpu.vector_load %arg8[%swap3A_311] {strides = array<i32>} : memref<256xi32, #tpu.memory_space<vmem>>, vector<16xi32>,
        tpu.vector_store %arg8[%swap3A_311], %shift_right_logical3A_310 {strides = array<i32>} : memref<256xi32, #tpu.memory_space<vmem>>, vector<16xi32>,
        %get3A_313 = arith.constant 32 : index
        %get3A_314 = tpu.vector_load %arg6[%get3A_313] {strides = array<i32>} : memref<256xi32, #tpu.memory_space<vmem>>, vector<16xi32>,
        %shift_right_logical3A_315 = arith.constant 1 : i32
        %shift_right_logical3A_316 = vector.broadcast %shift_right_logical3A_315 : i32 to vector<16xi32>
        %shift_right_logical3A_317 = arith.shrui %get3A_314, %shift_right_logical3A_316 : vector<16xi32>
        %swap3A_318 = arith.constant 32 : index
        %swap3A_319 = tpu.vector_load %arg8[%swap3A_318] {strides = array<i32>} : memref<256xi32, #tpu.memory_space<vmem>>, vector<16xi32>,
        tpu.vector_store %arg8[%swap3A_318], %shift_right_logical3A_317 {strides = array<i32>} : memref<256xi32, #tpu.memory_space<vmem>>, vector<16xi32>,
        %get3A_320 = arith.constant 48 : index
        %get3A_321 = tpu.vector_load %arg6[%get3A_320] {strides = array<i32>} : memref<256xi32, #tpu.memory_space<vmem>>, vector<16xi32>,
        %shift_right_logical3A_322 = arith.constant 1 : i32
        %shift_right_logical3A_323 = vector.broadcast %shift_right_logical3A_322 : i32 to vector<16xi32>
        %shift_right_logical3A_324 = arith.shrui %get3A_321, %shift_right_logical3A_323 : vector<16xi32>
        %swap3A_325 = arith.constant 48 : index
        %swap3A_326 = tpu.vector_load %arg8[%swap3A_325] {strides = array<i32>} : memref<256xi32, #tpu.memory_space<vmem>>, vector<16xi32>,
        tpu.vector_store %arg8[%swap3A_325], %shift_right_logical3A_324 {strides = array<i32>} : memref<256xi32, #tpu.memory_space<vmem>>, vector<16xi32>,
        %get3A_327 = arith.constant 64 : index
        %get3A_328 = tpu.vector_load %arg6[%get3A_327] {strides = array<i32>} : memref<256xi32, #tpu.memory_space<vmem>>, vector<16xi32>,
        %shift_right_logical3A_329 = arith.constant 1 : i32
        %shift_right_logical3A_330 = vector.broadcast %shift_right_logical3A_329 : i32 to vector<16xi32>
        %shift_right_logical3A_331 = arith.shrui %get3A_328, %shift_right_logical3A_330 : vector<16xi32>
        %swap3A_332 = arith.constant 64 : index
        %swap3A_333 = tpu.vector_load %arg8[%swap3A_332] {strides = array<i32>} : memref<256xi32, #tpu.memory_space<vmem>>, vector<16xi32>,
        tpu.vector_store %arg8[%swap3A_332], %shift_right_logical3A_331 {strides = array<i32>} : memref<256xi32, #tpu.memory_space<vmem>>, vector<16xi32>,
        %get3A_334 = arith.constant 80 : index
        %get3A_335 = tpu.vector_load %arg6[%get3A_334] {strides = array<i32>} : memref<256xi32, #tpu.memory_space<vmem>>, vector<16xi32>,
        %shift_right_logical3A_336 = arith.constant 1 : i32
        %shift_right_logical3A_337 = vector.broadcast %shift_right_logical3A_336 : i32 to vector<16xi32>
        %shift_right_logical3A_338 = arith.shrui %get3A_335, %shift_right_logical3A_337 : vector<16xi32>
        %swap3A_339 = arith.constant 80 : index
        %swap3A_340 = tpu.vector_load %arg8[%swap3A_339] {strides = array<i32>} : memref<256xi32, #tpu.memory_space<vmem>>, vector<16xi32>,
        tpu.vector_store %arg8[%swap3A_339], %shift_right_logical3A_338 {strides = array<i32>} : memref<256xi32, #tpu.memory_space<vmem>>, vector<16xi32>,
        %get3A_341 = arith.constant 96 : index
        %get3A_342 = tpu.vector_load %arg6[%get3A_341] {strides = array<i32>} : memref<256xi32, #tpu.memory_space<vmem>>, vector<16xi32>,
        %shift_right_logical3A_343 = arith.constant 1 : i32
        %shift_right_logical3A_344 = vector.broadcast %shift_right_logical3A_343 : i32 to vector<16xi32>
        %shift_right_logical3A_345 = arith.shrui %get3A_342, %shift_right_logical3A_344 : vector<16xi32>
        %swap3A_346 = arith.constant 96 : index
        %swap3A_347 = tpu.vector_load %arg8[%swap3A_346] {strides = array<i32>} : memref<256xi32, #tpu.memory_space<vmem>>, vector<16xi32>,
        tpu.vector_store %arg8[%swap3A_346], %shift_right_logical3A_345 {strides = array<i32>} : memref<256xi32, #tpu.memory_space<vmem>>, vector<16xi32>,
        %get3A_348 = arith.constant 112 : index
        %get3A_349 = tpu.vector_load %arg6[%get3A_348] {strides = array<i32>} : memref<256xi32, #tpu.memory_space<vmem>>, vector<16xi32>,
        %shift_right_logical3A_350 = arith.constant 1 : i32
        %shift_right_logical3A_351 = vector.broadcast %shift_right_logical3A_350 : i32 to vector<16xi32>
        %shift_right_logical3A_352 = arith.shrui %get3A_349, %shift_right_logical3A_351 : vector<16xi32>
        %swap3A_353 = arith.constant 112 : index
        %swap3A_354 = tpu.vector_load %arg8[%swap3A_353] {strides = array<i32>} : memref<256xi32, #tpu.memory_space<vmem>>, vector<16xi32>,
        tpu.vector_store %arg8[%swap3A_353], %shift_right_logical3A_352 {strides = array<i32>} : memref<256xi32, #tpu.memory_space<vmem>>, vector<16xi32>,
        %get3A_355 = arith.constant 128 : index
        %get3A_356 = tpu.vector_load %arg6[%get3A_355] {strides = array<i32>} : memref<256xi32, #tpu.memory_space<vmem>>, vector<16xi32>,
        %shift_right_logical3A_357 = arith.constant 1 : i32
        %shift_right_logical3A_358 = vector.broadcast %shift_right_logical3A_357 : i32 to vector<16xi32>
        %shift_right_logical3A_359 = arith.shrui %get3A_356, %shift_right_logical3A_358 : vector<16xi32>
        %swap3A_360 = arith.constant 128 : index
        %swap3A_361 = tpu.vector_load %arg8[%swap3A_360] {strides = array<i32>} : memref<256xi32, #tpu.memory_space<vmem>>, vector<16xi32>,
        tpu.vector_store %arg8[%swap3A_360], %shift_right_logical3A_359 {strides = array<i32>} : memref<256xi32, #tpu.memory_space<vmem>>, vector<16xi32>,
        %get3A_362 = arith.constant 144 : index
        %get3A_363 = tpu.vector_load %arg6[%get3A_362] {strides = array<i32>} : memref<256xi32, #tpu.memory_space<vmem>>, vector<16xi32>,
        %shift_right_logical3A_364 = arith.constant 1 : i32
        %shift_right_logical3A_365 = vector.broadcast %shift_right_logical3A_364 : i32 to vector<16xi32>
        %shift_right_logical3A_366 = arith.shrui %get3A_363, %shift_right_logical3A_365 : vector<16xi32>
        %swap3A_367 = arith.constant 144 : index
        %swap3A_368 = tpu.vector_load %arg8[%swap3A_367] {strides = array<i32>} : memref<256xi32, #tpu.memory_space<vmem>>, vector<16xi32>,
        tpu.vector_store %arg8[%swap3A_367], %shift_right_logical3A_366 {strides = array<i32>} : memref<256xi32, #tpu.memory_space<vmem>>, vector<16xi32>,
        %get3A_369 = arith.constant 160 : index
        %get3A_370 = tpu.vector_load %arg6[%get3A_369] {strides = array<i32>} : memref<256xi32, #tpu.memory_space<vmem>>, vector<16xi32>,
        %shift_right_logical3A_371 = arith.constant 1 : i32
        %shift_right_logical3A_372 = vector.broadcast %shift_right_logical3A_371 : i32 to vector<16xi32>
        %shift_right_logical3A_373 = arith.shrui %get3A_370, %shift_right_logical3A_372 : vector<16xi32>
        %swap3A_374 = arith.constant 160 : index
        %swap3A_375 = tpu.vector_load %arg8[%swap3A_374] {strides = array<i32>} : memref<256xi32, #tpu.memory_space<vmem>>, vector<16xi32>,
        tpu.vector_store %arg8[%swap3A_374], %shift_right_logical3A_373 {strides = array<i32>} : memref<256xi32, #tpu.memory_space<vmem>>, vector<16xi32>,
        %get3A_376 = arith.constant 176 : index
        %get3A_377 = tpu.vector_load %arg6[%get3A_376] {strides = array<i32>} : memref<256xi32, #tpu.memory_space<vmem>>, vector<16xi32>,
        %shift_right_logical3A_378 = arith.constant 1 : i32
        %shift_right_logical3A_379 = vector.broadcast %shift_right_logical3A_378 : i32 to vector<16xi32>
        %shift_right_logical3A_380 = arith.shrui %get3A_377, %shift_right_logical3A_379 : vector<16xi32>
        %swap3A_381 = arith.constant 176 : index
        %swap3A_382 = tpu.vector_load %arg8[%swap3A_381] {strides = array<i32>} : memref<256xi32, #tpu.memory_space<vmem>>, vector<16xi32>,
        tpu.vector_store %arg8[%swap3A_381], %shift_right_logical3A_380 {strides = array<i32>} : memref<256xi32, #tpu.memory_space<vmem>>, vector<16xi32>,
        %get3A_383 = arith.constant 192 : index
        %get3A_384 = tpu.vector_load %arg6[%get3A_383] {strides = array<i32>} : memref<256xi32, #tpu.memory_space<vmem>>, vector<16xi32>,
        %shift_right_logical3A_385 = arith.constant 1 : i32
        %shift_right_logical3A_386 = vector.broadcast %shift_right_logical3A_385 : i32 to vector<16xi32>
        %shift_right_logical3A_387 = arith.shrui %get3A_384, %shift_right_logical3A_386 : vector<16xi32>
        %swap3A_388 = arith.constant 192 : index
        %swap3A_389 = tpu.vector_load %arg8[%swap3A_388] {strides = array<i32>} : memref<256xi32, #tpu.memory_space<vmem>>, vector<16xi32>,
        tpu.vector_store %arg8[%swap3A_388], %shift_right_logical3A_387 {strides = array<i32>} : memref<256xi32, #tpu.memory_space<vmem>>, vector<16xi32>,
        %get3A_390 = arith.constant 208 : index
        %get3A_391 = tpu.vector_load %arg6[%get3A_390] {strides = array<i32>} : memref<256xi32, #tpu.memory_space<vmem>>, vector<16xi32>,
        %shift_right_logical3A_392 = arith.constant 1 : i32
        %shift_right_logical3A_393 = vector.broadcast %shift_right_logical3A_392 : i32 to vector<16xi32>
        %shift_right_logical3A_394 = arith.shrui %get3A_391, %shift_right_logical3A_393 : vector<16xi32>
        %swap3A_395 = arith.constant 208 : index
        %swap3A_396 = tpu.vector_load %arg8[%swap3A_395] {strides = array<i32>} : memref<256xi32, #tpu.memory_space<vmem>>, vector<16xi32>,
        tpu.vector_store %arg8[%swap3A_395], %shift_right_logical3A_394 {strides = array<i32>} : memref<256xi32, #tpu.memory_space<vmem>>, vector<16xi32>,
        %get3A_397 = arith.constant 224 : index
        %get3A_398 = tpu.vector_load %arg6[%get3A_397] {strides = array<i32>} : memref<256xi32, #tpu.memory_space<vmem>>, vector<16xi32>,
        %shift_right_logical3A_399 = arith.constant 1 : i32
        %shift_right_logical3A_400 = vector.broadcast %shift_right_logical3A_399 : i32 to vector<16xi32>
        %shift_right_logical3A_401 = arith.shrui %get3A_398, %shift_right_logical3A_400 : vector<16xi32>
        %swap3A_402 = arith.constant 224 : index
        %swap3A_403 = tpu.vector_load %arg8[%swap3A_402] {strides = array<i32>} : memref<256xi32, #tpu.memory_space<vmem>>, vector<16xi32>,
        tpu.vector_store %arg8[%swap3A_402], %shift_right_logical3A_401 {strides = array<i32>} : memref<256xi32, #tpu.memory_space<vmem>>, vector<16xi32>,
        %get3A_404 = arith.constant 240 : index
        %get3A_405 = tpu.vector_load %arg6[%get3A_404] {strides = array<i32>} : memref<256xi32, #tpu.memory_space<vmem>>, vector<16xi32>,
        %shift_right_logical3A_406 = arith.constant 1 : i32
        %shift_right_logical3A_407 = vector.broadcast %shift_right_logical3A_406 : i32 to vector<16xi32>
        %shift_right_logical3A_408 = arith.shrui %get3A_405, %shift_right_logical3A_407 : vector<16xi32>
        %swap3A_409 = arith.constant 240 : index
        %swap3A_410 = tpu.vector_load %arg8[%swap3A_409] {strides = array<i32>} : memref<256xi32, #tpu.memory_space<vmem>>, vector<16xi32>,
        tpu.vector_store %arg8[%swap3A_409], %shift_right_logical3A_408 {strides = array<i32>} : memref<256xi32, #tpu.memory_space<vmem>>, vector<16xi32>,
        %dma_start3A_411 = arith.constant 0 : i32
        %dma_start3A_412 = arith.constant 0 : i32
        %dma_start3A_413 = tpu.memref_slice %arg3[%dma_start3A_411, %dma_start3A_412] : memref<500000x128xf32, #tpu.memory_space<hbm>> -> memref<500000x128xf32, #tpu.memory_space<hbm>>
        tpu.enqueue_indirect_dma source(%dma_start3A_413 : memref<500000x128xf32, #tpu.memory_space<hbm>>) target(%arg10 : memref<256x128xf32, #tpu.memory_space<vmem>>) offsets(%arg8 : memref<256xi32, #tpu.memory_space<vmem>>) semaphore(%arg14 : memref<!tpu.dma_semaphore, #tpu.memory_space<semaphore_mem>>)
      } else {
      }
      %dma_wait3A_242 = arith.constant 0 : i32
      %dma_wait3A_243 = arith.constant 0 : i32
      %dma_wait3A_244 = tpu.memref_slice %arg3[%dma_wait3A_242, %dma_wait3A_243] : memref<500000x128xf32, #tpu.memory_space<hbm>> -> memref<500000x128xf32, #tpu.memory_space<hbm>>
      tpu.wait_indirect_dma semaphore(%arg15 : memref<!tpu.dma_semaphore, #tpu.memory_space<semaphore_mem>>) src(%dma_wait3A_244 : memref<500000x128xf32, #tpu.memory_space<hbm>>) dst(%arg11 : memref<256x128xf32, #tpu.memory_space<vmem>>)
      %ge3A_245 = arith.constant 1 : i32
      %ge3A_246 = arith.cmpi sge, %add3A_234, %ge3A_245 : i32
      %convert_element_type3A_247 = arith.extui %ge3A_246 : i1 to i32
      %cond3A_248 = arith.constant 0 : i32
      %cond3A_249 = arith.cmpi ne, %convert_element_type3A_247, %cond3A_248 : i32
      scf.if %cond3A_249 {
        %dma_wait3A_292 = arith.constant 0 : i32
        %dma_wait3A_293 = arith.constant 0 : i32
        %dma_wait3A_294 = tpu.memref_slice %arg5[%mul3A_34, %dma_wait3A_292, %dma_wait3A_293] : memref<4096x200x64xf32, #tpu.memory_space<hbm>> -> memref<256x1x64xf32, #tpu.memory_space<hbm>>
        %dma_wait3A_295 = tpu.memref_squeeze %dma_wait3A_294 : memref<256x1x64xf32, #tpu.memory_space<hbm>> -> memref<256x64xf32, #tpu.memory_space<hbm>>
        %dma_wait3A_296 = arith.constant 0 : i32
        %dma_wait3A_297 = tpu.memref_slice %arg5[%mul3A_34, %dma_wait3A_292, %dma_wait3A_296] : memref<4096x200x64xf32, #tpu.memory_space<hbm>> -> memref<256x1x64xf32, #tpu.memory_space<hbm>>
        %dma_wait3A_298 = tpu.memref_squeeze %dma_wait3A_297 : memref<256x1x64xf32, #tpu.memory_space<hbm>> -> memref<256x64xf32, #tpu.memory_space<hbm>>
        tpu.wait_dma2 semaphore(%arg16 : memref<!tpu.dma_semaphore, #tpu.memory_space<semaphore_mem>>) src(%arg12 : memref<256x64xf32, #tpu.memory_space<vmem>>) dst(%dma_wait3A_298 : memref<256x64xf32, #tpu.memory_space<hbm>>)
      } else {
      }
      %add3A_250 = arith.addi %mul3A_32, %add3A_234 : i32
      %mul3A_251 = arith.constant 64 : i32
      %mul3A_252 = arith.muli %add3A_250, %mul3A_251 : i32
      %add3A_253 = arith.constant 0 : i32
      %add3A_254 = arith.addi %mul3A_252, %add3A_253 : i32
      %get3A_255 = arith.index_cast %add3A_254 : i32 to index
      %get3A_256 = tpu.vector_load %arg13[%get3A_255] {strides = array<i32>} : memref<12800xf32, #tpu.memory_space<vmem>>, vector<16xf32>,
      %mul3A_257 = arith.constant 64 : i32
      %mul3A_258 = arith.muli %add3A_250, %mul3A_257 : i32
      %add3A_259 = arith.constant 16 : i32
      %add3A_260 = arith.addi %mul3A_258, %add3A_259 : i32
      %get3A_261 = arith.index_cast %add3A_260 : i32 to index
      %get3A_262 = tpu.vector_load %arg13[%get3A_261] {strides = array<i32>} : memref<12800xf32, #tpu.memory_space<vmem>>, vector<16xf32>,
      %mul3A_263 = arith.constant 64 : i32
      %mul3A_264 = arith.muli %add3A_250, %mul3A_263 : i32
      %add3A_265 = arith.constant 32 : i32
      %add3A_266 = arith.addi %mul3A_264, %add3A_265 : i32
      %get3A_267 = arith.index_cast %add3A_266 : i32 to index
      %get3A_268 = tpu.vector_load %arg13[%get3A_267] {strides = array<i32>} : memref<12800xf32, #tpu.memory_space<vmem>>, vector<16xf32>,
      %mul3A_269 = arith.constant 64 : i32
      %mul3A_270 = arith.muli %add3A_250, %mul3A_269 : i32
      %add3A_271 = arith.constant 48 : i32
      %add3A_272 = arith.addi %mul3A_270, %add3A_271 : i32
      %get3A_273 = arith.index_cast %add3A_272 : i32 to index
      %get3A_274 = tpu.vector_load %arg13[%get3A_273] {strides = array<i32>} : memref<12800xf32, #tpu.memory_space<vmem>>, vector<16xf32>,
      %parallel_loop3A_275 = arith.constant 0 : i32
      %parallel_loop3A_276 = arith.constant 256 : i32
      %parallel_loop3A_277 = arith.constant 1 : i32
      scf.for %parallel_loop3A_292 = %parallel_loop3A_275 to %parallel_loop3A_276 step %parallel_loop3A_277  : i32 {
        %parallel_loop3A_293 = arith.constant 16 : i32
        %parallel_loop3A_294 = arith.divsi %parallel_loop3A_292, %parallel_loop3A_293 : i32
        %parallel_loop3A_295 = arith.constant 0 : i32
        %parallel_loop3A_296 = arith.cmpi sgt, %parallel_loop3A_292, %parallel_loop3A_295 : i32
        %parallel_loop3A_297 = arith.extui %parallel_loop3A_296 : i1 to i32
        %parallel_loop3A_298 = arith.constant 0 : i32
        %parallel_loop3A_299 = arith.cmpi slt, %parallel_loop3A_292, %parallel_loop3A_298 : i32
        %parallel_loop3A_300 = arith.extui %parallel_loop3A_299 : i1 to i32
        %parallel_loop3A_301 = arith.subi %parallel_loop3A_297, %parallel_loop3A_300 : i32
        %parallel_loop3A_302 = arith.constant 0 : i32
        %parallel_loop3A_303 = arith.cmpi sgt, %parallel_loop3A_293, %parallel_loop3A_302 : i32
        %parallel_loop3A_304 = arith.extui %parallel_loop3A_303 : i1 to i32
        %parallel_loop3A_305 = arith.constant 0 : i32
        %parallel_loop3A_306 = arith.cmpi slt, %parallel_loop3A_293, %parallel_loop3A_305 : i32
        %parallel_loop3A_307 = arith.extui %parallel_loop3A_306 : i1 to i32
        %parallel_loop3A_308 = arith.subi %parallel_loop3A_304, %parallel_loop3A_307 : i32
        %parallel_loop3A_309 = arith.cmpi ne, %parallel_loop3A_301, %parallel_loop3A_308 : i32
        %parallel_loop3A_310 = arith.remsi %parallel_loop3A_292, %parallel_loop3A_293 : i32
        %parallel_loop3A_311 = arith.constant 0 : i32
        %parallel_loop3A_312 = arith.cmpi ne, %parallel_loop3A_310, %parallel_loop3A_311 : i32
        %parallel_loop3A_313 = arith.andi %parallel_loop3A_309, %parallel_loop3A_312 : i1
        %parallel_loop3A_314 = arith.constant 1 : i32
        %parallel_loop3A_315 = arith.subi %parallel_loop3A_294, %parallel_loop3A_314 : i32
        %parallel_loop3A_316 = arith.select %parallel_loop3A_313, %parallel_loop3A_315, %parallel_loop3A_294 : i32
        %parallel_loop3A_317 = arith.constant 16 : i32
        %parallel_loop3A_318 = arith.muli %parallel_loop3A_316, %parallel_loop3A_317 : i32
        %parallel_loop3A_319 = arith.index_cast %parallel_loop3A_318 : i32 to index
        %parallel_loop3A_320 = tpu.vector_load %arg7[%parallel_loop3A_319] {strides = array<i32>} : memref<256xi32, #tpu.memory_space<vmem>>, vector<16xi32>,
        %parallel_loop3A_321 = arith.constant 1 : i32
        %parallel_loop3A_322 = vector.broadcast %parallel_loop3A_321 : i32 to vector<16xi32>
        %parallel_loop3A_323 = arith.andi %parallel_loop3A_320, %parallel_loop3A_322 : vector<16xi32>
        %parallel_loop3A_324 = arith.constant 0 : i32
        %parallel_loop3A_325 = vector.broadcast %parallel_loop3A_324 : i32 to vector<16xi32>
        %parallel_loop3A_326 = arith.muli %iota3A, %parallel_loop3A_325 : vector<16xi32>
        %parallel_loop3A_327 = arith.subi %parallel_loop3A_292, %parallel_loop3A_318 : i32
        %parallel_loop3A_328 = vector.broadcast %parallel_loop3A_327 : i32 to vector<16xi32>
        %parallel_loop3A_329 = arith.addi %parallel_loop3A_326, %parallel_loop3A_328 : vector<16xi32>
        %parallel_loop3A_330 = vector.shape_cast %parallel_loop3A_329 : vector<16xi32> to vector<16x1xi32>
        %parallel_loop3A_331 = vector.shape_cast %parallel_loop3A_330 : vector<16x1xi32> to vector<16xi32>
        %parallel_loop3A_332 = tpu.dynamic_gather %parallel_loop3A_323[%parallel_loop3A_331] in [0] : vector<16xi32>, vector<16xi32> -> vector<16xi32>
        %parallel_loop3A_333 = arith.constant 1 : i32
        %parallel_loop3A_334 = vector.broadcast %parallel_loop3A_333 : i32 to vector<16xi32>
        %parallel_loop3A_335 = arith.cmpi eq, %parallel_loop3A_332, %parallel_loop3A_334 : vector<16xi32>
        %parallel_loop3A_336 = arith.index_cast %parallel_loop3A_292 : i32 to index
        %parallel_loop3A_337 = arith.constant 0 : index
        %parallel_loop3A_338 = tpu.vector_load %arg11[%parallel_loop3A_336, %parallel_loop3A_337] {strides = array<i32>} : memref<256x128xf32, #tpu.memory_space<vmem>>, vector<16xf32>,
        %parallel_loop3A_339 = arith.index_cast %parallel_loop3A_292 : i32 to index
        %parallel_loop3A_340 = arith.constant 64 : index
        %parallel_loop3A_341 = tpu.vector_load %arg11[%parallel_loop3A_339, %parallel_loop3A_340] {strides = array<i32>} : memref<256x128xf32, #tpu.memory_space<vmem>>, vector<16xf32>,
        %parallel_loop3A_342 = arith.select %parallel_loop3A_335, %parallel_loop3A_341, %parallel_loop3A_338 : vector<16xi1>, vector<16xf32>
        %parallel_loop3A_343 = arith.addf %parallel_loop3A_342, %get3A_256 : vector<16xf32>
        %parallel_loop3A_344 = arith.index_cast %parallel_loop3A_292 : i32 to index
        %parallel_loop3A_345 = arith.constant 0 : index
        %parallel_loop3A_346 = tpu.vector_load %arg12[%parallel_loop3A_344, %parallel_loop3A_345] {strides = array<i32>} : memref<256x64xf32, #tpu.memory_space<vmem>>, vector<16xf32>,
        tpu.vector_store %arg12[%parallel_loop3A_344, %parallel_loop3A_345], %parallel_loop3A_343 {strides = array<i32>} : memref<256x64xf32, #tpu.memory_space<vmem>>, vector<16xf32>,
        %parallel_loop3A_347 = arith.index_cast %parallel_loop3A_292 : i32 to index
        %parallel_loop3A_348 = arith.constant 16 : index
        %parallel_loop3A_349 = tpu.vector_load %arg11[%parallel_loop3A_347, %parallel_loop3A_348] {strides = array<i32>} : memref<256x128xf32, #tpu.memory_space<vmem>>, vector<16xf32>,
        %parallel_loop3A_350 = arith.index_cast %parallel_loop3A_292 : i32 to index
        %parallel_loop3A_351 = arith.constant 80 : index
        %parallel_loop3A_352 = tpu.vector_load %arg11[%parallel_loop3A_350, %parallel_loop3A_351] {strides = array<i32>} : memref<256x128xf32, #tpu.memory_space<vmem>>, vector<16xf32>,
        %parallel_loop3A_353 = arith.select %parallel_loop3A_335, %parallel_loop3A_352, %parallel_loop3A_349 : vector<16xi1>, vector<16xf32>
        %parallel_loop3A_354 = arith.addf %parallel_loop3A_353, %get3A_262 : vector<16xf32>
        %parallel_loop3A_355 = arith.index_cast %parallel_loop3A_292 : i32 to index
        %parallel_loop3A_356 = arith.constant 16 : index
        %parallel_loop3A_357 = tpu.vector_load %arg12[%parallel_loop3A_355, %parallel_loop3A_356] {strides = array<i32>} : memref<256x64xf32, #tpu.memory_space<vmem>>, vector<16xf32>,
        tpu.vector_store %arg12[%parallel_loop3A_355, %parallel_loop3A_356], %parallel_loop3A_354 {strides = array<i32>} : memref<256x64xf32, #tpu.memory_space<vmem>>, vector<16xf32>,
        %parallel_loop3A_358 = arith.index_cast %parallel_loop3A_292 : i32 to index
        %parallel_loop3A_359 = arith.constant 32 : index
        %parallel_loop3A_360 = tpu.vector_load %arg11[%parallel_loop3A_358, %parallel_loop3A_359] {strides = array<i32>} : memref<256x128xf32, #tpu.memory_space<vmem>>, vector<16xf32>,
        %parallel_loop3A_361 = arith.index_cast %parallel_loop3A_292 : i32 to index
        %parallel_loop3A_362 = arith.constant 96 : index
        %parallel_loop3A_363 = tpu.vector_load %arg11[%parallel_loop3A_361, %parallel_loop3A_362] {strides = array<i32>} : memref<256x128xf32, #tpu.memory_space<vmem>>, vector<16xf32>,
        %parallel_loop3A_364 = arith.select %parallel_loop3A_335, %parallel_loop3A_363, %parallel_loop3A_360 : vector<16xi1>, vector<16xf32>
        %parallel_loop3A_365 = arith.addf %parallel_loop3A_364, %get3A_268 : vector<16xf32>
        %parallel_loop3A_366 = arith.index_cast %parallel_loop3A_292 : i32 to index
        %parallel_loop3A_367 = arith.constant 32 : index
        %parallel_loop3A_368 = tpu.vector_load %arg12[%parallel_loop3A_366, %parallel_loop3A_367] {strides = array<i32>} : memref<256x64xf32, #tpu.memory_space<vmem>>, vector<16xf32>,
        tpu.vector_store %arg12[%parallel_loop3A_366, %parallel_loop3A_367], %parallel_loop3A_365 {strides = array<i32>} : memref<256x64xf32, #tpu.memory_space<vmem>>, vector<16xf32>,
        %parallel_loop3A_369 = arith.index_cast %parallel_loop3A_292 : i32 to index
        %parallel_loop3A_370 = arith.constant 48 : index
        %parallel_loop3A_371 = tpu.vector_load %arg11[%parallel_loop3A_369, %parallel_loop3A_370] {strides = array<i32>} : memref<256x128xf32, #tpu.memory_space<vmem>>, vector<16xf32>,
        %parallel_loop3A_372 = arith.index_cast %parallel_loop3A_292 : i32 to index
        %parallel_loop3A_373 = arith.constant 112 : index
        %parallel_loop3A_374 = tpu.vector_load %arg11[%parallel_loop3A_372, %parallel_loop3A_373] {strides = array<i32>} : memref<256x128xf32, #tpu.memory_space<vmem>>, vector<16xf32>,
        %parallel_loop3A_375 = arith.select %parallel_loop3A_335, %parallel_loop3A_374, %parallel_loop3A_371 : vector<16xi1>, vector<16xf32>
        %parallel_loop3A_376 = arith.addf %parallel_loop3A_375, %get3A_274 : vector<16xf32>
        %parallel_loop3A_377 = arith.index_cast %parallel_loop3A_292 : i32 to index
        %parallel_loop3A_378 = arith.constant 48 : index
        %parallel_loop3A_379 = tpu.vector_load %arg12[%parallel_loop3A_377, %parallel_loop3A_378] {strides = array<i32>} : memref<256x64xf32, #tpu.memory_space<vmem>>, vector<16xf32>,
        tpu.vector_store %arg12[%parallel_loop3A_377, %parallel_loop3A_378], %parallel_loop3A_376 {strides = array<i32>} : memref<256x64xf32, #tpu.memory_space<vmem>>, vector<16xf32>,
      } {sc.loop_unroll_factor = 4 : i64, sc.parallel_access}
      %add3A_278 = arith.addi %mul3A_32, %add3A_234 : i32
      %dma_start3A_279 = arith.constant 0 : i32
      %dma_start3A_280 = tpu.memref_slice %arg5[%mul3A_34, %add3A_278, %dma_start3A_279] : memref<4096x200x64xf32, #tpu.memory_space<hbm>> -> memref<256x1x64xf32, #tpu.memory_space<hbm>>
      %dma_start3A_281 = tpu.memref_squeeze %dma_start3A_280 : memref<256x1x64xf32, #tpu.memory_space<hbm>> -> memref<256x64xf32, #tpu.memory_space<hbm>>
      %dma_start3A_282 = arith.constant 0 : i32
      %dma_start3A_283 = tpu.memref_slice %arg5[%mul3A_34, %add3A_278, %dma_start3A_282] : memref<4096x200x64xf32, #tpu.memory_space<hbm>> -> memref<256x1x64xf32, #tpu.memory_space<hbm>>
      %dma_start3A_284 = tpu.memref_squeeze %dma_start3A_283 : memref<256x1x64xf32, #tpu.memory_space<hbm>> -> memref<256x64xf32, #tpu.memory_space<hbm>>
      tpu.enqueue_dma source(%arg12 : memref<256x64xf32, #tpu.memory_space<vmem>>) target(%dma_start3A_284 : memref<256x64xf32, #tpu.memory_space<hbm>>) target_semaphore(%arg16 : memref<!tpu.dma_semaphore, #tpu.memory_space<semaphore_mem>>)
      %add3A_285 = arith.constant 2 : i32
      %add3A_286 = arith.addi %add3A_234, %add3A_285 : i32
      %lt3A_287 = arith.constant 100 : i32
      %lt3A_288 = arith.cmpi slt, %add3A_286, %lt3A_287 : i32
      %convert_element_type3A_289 = arith.extui %lt3A_288 : i1 to i32
      %cond3A_290 = arith.constant 0 : i32
      %cond3A_291 = arith.cmpi ne, %convert_element_type3A_289, %cond3A_290 : i32
      scf.if %cond3A_291 {
        %add3A_292 = arith.constant 2 : i32
        %add3A_293 = arith.addi %add3A_234, %add3A_292 : i32
        %add3A_294 = arith.addi %mul3A_32, %add3A_293 : i32
        %dma_start3A_295 = tpu.memref_slice %arg2[%add3A_294, %mul3A_34] : memref<200x4096xi32, #tpu.memory_space<hbm>> -> memref<1x256xi32, #tpu.memory_space<hbm>>
        %dma_start3A_296 = tpu.memref_squeeze %dma_start3A_295 : memref<1x256xi32, #tpu.memory_space<hbm>> -> memref<256xi32, #tpu.memory_space<hbm>>
        %dma_start3A_297 = tpu.memref_slice %arg2[%add3A_294, %mul3A_34] : memref<200x4096xi32, #tpu.memory_space<hbm>> -> memref<1x256xi32, #tpu.memory_space<hbm>>
        %dma_start3A_298 = tpu.memref_squeeze %dma_start3A_297 : memref<1x256xi32, #tpu.memory_space<hbm>> -> memref<256xi32, #tpu.memory_space<hbm>>
        tpu.enqueue_dma source(%dma_start3A_298 : memref<256xi32, #tpu.memory_space<hbm>>) target(%arg7 : memref<256xi32, #tpu.memory_space<vmem>>) target_semaphore(%arg19 : memref<!tpu.dma_semaphore, #tpu.memory_space<semaphore_mem>>)
      } else {
      }
    }
    %scan3A_165 = arith.constant 50 : i32
    %dma_wait3A_166 = arith.constant 0 : i32
    %dma_wait3A_167 = arith.constant 0 : i32
    %dma_wait3A_168 = tpu.memref_slice %arg5[%mul3A_34, %dma_wait3A_166, %dma_wait3A_167] : memref<4096x200x64xf32, #tpu.memory_space<hbm>> -> memref<256x1x64xf32, #tpu.memory_space<hbm>>
    %dma_wait3A_169 = tpu.memref_squeeze %dma_wait3A_168 : memref<256x1x64xf32, #tpu.memory_space<hbm>> -> memref<256x64xf32, #tpu.memory_space<hbm>>
    %dma_wait3A_170 = arith.constant 0 : i32
    %dma_wait3A_171 = tpu.memref_slice %arg5[%mul3A_34, %dma_wait3A_166, %dma_wait3A_170] : memref<4096x200x64xf32, #tpu.memory_space<hbm>> -> memref<256x1x64xf32, #tpu.memory_space<hbm>>
    %dma_wait3A_172 = tpu.memref_squeeze %dma_wait3A_171 : memref<256x1x64xf32, #tpu.memory_space<hbm>> -> memref<256x64xf32, #tpu.memory_space<hbm>>
    tpu.wait_dma2 semaphore(%arg16 : memref<!tpu.dma_semaphore, #tpu.memory_space<semaphore_mem>>) src(%arg12 : memref<256x64xf32, #tpu.memory_space<vmem>>) dst(%dma_wait3A_172 : memref<256x64xf32, #tpu.memory_space<hbm>>)
    return
  }
}

</mosaic_0001>

<sc_bundles>
// kernel: _run.3.cloned.1.call-start
scs
__scs_entry_jumppad:
0x0: {  	(pc) =	sbr.rel $0x88, $3  }
0x1: {  	(tag) =	ssettag $0x0;
	lr =	simm.s32 $0x1  }
0x2: {  	[smem:$0x3F9E] =	sst lr;
	_ =	strace $0xD0000000  }
0x3: {  	_ = 	snop  }
0x4: {  	_ = 	snop  }
0x5: {  	_ = 	snop  }
0x6: {  	_ = 	snop  }
0x7: {  	_ = 	snop  }
__scs_overlays_trampoline_lowered:
0x8: {  	[smem:$0x3FAD] =	sst s0  }
0x9: {  	[smem:$0x3FAE] =	sst s1  }
0xa: {  	[smem:$0x3FAF] =	sst s2  }
0xb: {  	[smem:$0x3FB0] =	sst s3  }
0xc: {  	[smem:$0x3FB1] =	sst s4  }
0xd: {  	[smem:$0x3FB2] =	sst s5  }
0xe: {  	[smem:$0x3FB3] =	sst s6  }
0xf: {  	[smem:$0x3FB4] =	sst s7  }
0x10: {  	[smem:$0x3FB5] =	sst s8  }
0x11: {  	[smem:$0x3FB6] =	sst s9;
	s0 =	simm.s32 @!p0 $0x0  }
0x12: {  	s1 =	sld [smem:$0x3F9C];
	s0 =	simm.s32 @p0 $0x1  }
0x13: {  	[smem:$0x3FB7] =	sst s0;
	s0 =	simm.s32 @!p1 $0x0  }
0x14: {  	s2 =	sld [smem:$0x3F9B];
	s0 =	simm.s32 @p1 $0x1  }
0x15: {  	[smem:$0x3FB8] =	sst s0;
	s0 =	simm.s32 @!p2 $0x0  }
0x16: {  	s3 =	sld [smem:$0x3FDB];
	s0 =	simm.s32 @p2 $0x1  }
0x17: {  	s4 =	simm.s32 $0x1BF5;
	[smem:$0x3FBA] =	sst s0  }
0x18: {  	s0 =	sld [smem:$0x3F9D];
	_ =	swait.ge [sflag:s4], $0x0  }
0x19: {  	s7 =	sld [smem:$0x3F9E]  }
0x1a: {  	s8 =	sadd.s32 $0xFFFFE003, lr  }
0x1b: {  	s9 =	sadd.s32 $0xFFFFFEF7, lr;
	s5 =	simm.s32 $0xFFFFFFFF;
	p2 =	slt.u32 s8, $0xFFFFF086  }
0x1c: {  	p1 =	slt.u32 s9, $0xF7A;
	s5 =	simm.s32 @!p2 $0x0  }
0x1d: {  	s5 =	simm.s32 @p1 $0x1;
	p0 =	seq.s32 s7, s2  }
0x1e: {  	s7 =	smul.u32 @!p0 $0xF7A, s2;
	p2 =	seq.s32 @!p0 s5, $0x0  }
0x1f: {  	s9 =	smul.u32 $0xF7A, s1;
	s8 =	simm.s32 @!p0 $0x1BF5;
	p2 =	por !p2, p0  }
0x20: {  	[sflag:s8] =	ssyncset.s32 @!p0 $0xFFFFF086;
	s6 =	sadd.s32 @!p0 s3, s7;
	s7 =	simm.s32 @!p0 $0x108  }
0x21: {  	s3 =	sadd.s32 s3, s9;
	s6 =	sadd.s32 @!p0 $0x88, s6;
	s7 =	simm.s32 @p2 $0x1082  }
0x22: {  	[simem:s7], [sflag:s8] =	dma.local @!p0 [hbm:s6], $0xF7A  }
0x23: {  	s9 =	sor.u32 $0xD0000000, s2;
	s6 =	simm.s32 $0x108;
	_ =	swait.ge @!p0 [sflag:s8], $0x0  }
0x24: {  	s3 =	sadd.s32 $0x88, s3;
	s6 =	simm.s32 @!p1 $0x1082;
	[sflag:s4] =	ssyncset.s32 $0xFFFFF086  }
0x25: {  	[simem:s6], [sflag:s4] =	dma.local [hbm:s3], $0xF7A  }
0x26: {  	[smem:$0x3F9E] =	sst s1;
	(tag) =	ssettag s2;
	_ =	strace s9  }
0x27: {  	s1 =	sld [smem:$0x3FAE]  }
0x28: {  	s2 =	sld [smem:$0x3FAF]  }
0x29: {  	s4 =	sld [smem:$0x3FB1]  }
0x2a: {  	p0 =	seq.s32 s5, $0x0;
	s5 =	sld [smem:$0x3FB2]  }
0x2b: {  	s6 =	sld [smem:$0x3FB3]  }
0x2c: {  	s7 =	sld [smem:$0x3FB4]  }
0x2d: {  	s3 =	simm.s32 $0x108;
	s8 =	sld [smem:$0x3FB5]  }
0x2e: {  	s3 =	simm.s32 @!p0 $0x1082;
	s9 =	sld [smem:$0x3FB6]  }
0x2f: {  	lr =	sadd.s32 s0, s3;
	s0 =	sld [smem:$0x3FAD]  }
0x30: {  	s3 =	sld [smem:$0x3FB0]  }
0x31: {  	[smem:$0x3FB9] =	sst s10  }
0x32: {  	s10 =	sld [smem:$0x3FB7];
	_ =	sdelay $0x3  }
0x33: {  	p0 =	seq.s32 s10, $0x1;
	s10 =	sld [smem:$0x3FB9];
	_ =	sdelay $0x3  }
0x34: {  	[smem:$0x3FB9] =	sst s10  }
0x35: {  	s10 =	sld [smem:$0x3FB8];
	_ =	sdelay $0x3  }
0x36: {  	p1 =	seq.s32 s10, $0x1;
	s10 =	sld [smem:$0x3FB9];
	_ =	sdelay $0x3  }
0x37: {  	[smem:$0x3FB9] =	sst s10  }
0x38: {  	s10 =	sld [smem:$0x3FBA]  }
0x39: {  	_ = 	snop;
	(pc) =	sbr.ind lr, $3  }
0x3a: {  	_ = 	snop  }
0x3b: {  	_ = 	snop  }
0x3c: {  	p2 =	seq.s32 s10, $0x1;
	s10 =	sld [smem:$0x3FB9]  }
0x3d: {  	_ =	shalt  }
0x3e: {  	_ =	shalt  }
0x3f: {  	_ =	shalt  }
0x40: {  	_ =	shalt  }
0x41: {  	_ =	shalt  }
0x42: {  	_ =	shalt  }
0x43: {  	_ =	shalt  }
0x44: {  	_ =	shalt  }
0x45: {  	_ =	shalt  }
0x46: {  	_ =	shalt  }
0x47: {  	_ =	shalt  }
0x48: {  	_ =	shalt  }
0x49: {  	_ =	shalt  }
0x4a: {  	_ =	shalt  }
0x4b: {  	_ =	shalt  }
0x4c: {  	_ =	shalt  }
0x4d: {  	_ =	shalt  }
0x4e: {  	_ =	shalt  }
0x4f: {  	_ =	shalt  }
0x50: {  	_ =	shalt  }
0x51: {  	_ =	shalt  }
0x52: {  	_ =	shalt  }
0x53: {  	_ =	shalt  }
0x54: {  	_ =	shalt  }
0x55: {  	_ =	shalt  }
0x56: {  	_ =	shalt  }
0x57: {  	_ =	shalt  }
0x58: {  	_ =	shalt  }
0x59: {  	_ =	shalt  }
0x5a: {  	_ =	shalt  }
0x5b: {  	_ =	shalt  }
0x5c: {  	_ =	shalt  }
0x5d: {  	_ =	shalt  }
0x5e: {  	_ =	shalt  }
0x5f: {  	_ =	shalt  }
0x60: {  	_ =	shalt  }
0x61: {  	_ =	shalt  }
0x62: {  	_ =	shalt  }
0x63: {  	_ =	shalt  }
0x64: {  	_ =	shalt  }
0x65: {  	_ =	shalt  }
0x66: {  	_ =	shalt  }
0x67: {  	_ =	shalt  }
0x68: {  	_ =	shalt  }
0x69: {  	_ =	shalt  }
0x6a: {  	_ =	shalt  }
0x6b: {  	_ =	shalt  }
0x6c: {  	_ =	shalt  }
0x6d: {  	_ =	shalt  }
0x6e: {  	_ =	shalt  }
0x6f: {  	_ =	shalt  }
0x70: {  	_ =	shalt  }
0x71: {  	_ =	shalt  }
0x72: {  	_ =	shalt  }
0x73: {  	_ =	shalt  }
0x74: {  	_ =	shalt  }
0x75: {  	_ =	shalt  }
0x76: {  	_ =	shalt  }
0x77: {  	_ =	shalt  }
0x78: {  	_ =	shalt  }
0x79: {  	_ =	shalt  }
0x7a: {  	_ =	shalt  }
0x7b: {  	_ =	shalt  }
0x7c: {  	_ =	shalt  }
0x7d: {  	_ =	shalt  }
0x7e: {  	_ =	shalt  }
0x7f: {  	_ =	shalt  }
0x80: {  	_ =	shalt  }
0x81: {  	_ =	shalt  }
0x82: {  	_ =	shalt  }
0x83: {  	_ =	shalt  }
0x84: {  	_ =	shalt  }
0x85: {  	_ =	shalt  }
0x86: {  	_ =	shalt  }
0x87: {  	_ =	shalt  }
.Lfunc_end0:
.L_simem_size_0:
called_computation_lowered:
.L_overlay_start_0:
0x88: {  	s2 =	sld [smem:$0x3FD9]  }
0x89: {  	s3 =	sld [smem:$0x3FFE];
	_ =	sdelay $0x1  }
0x8a: {  	s1 =	srdreg.scid  }
0x8b: {  	s0 =	sand.u32 $0x1, s1  }
0x8c: {  	s17 =	sshll.u32 s0, $0xA;
	s2 =	sadd.s32 s3, s2  }
0x8d: {  	s2 =	sadd.s32 s2, s17  }
0x8e: {  	[smem:$0x3FC5] =	sst s2  }
0x8f: {  	_ = 	snop  }
0x90: {  	s2 =	sld [smem:$0x3FC9]  }
0x91: {  	s18 =	sld [smem:$0x3FC8]  }
0x92: {  	s4 =	sld [smem:$0x3FC7];
	(tm) =	ssettm $0x1  }
0x93: {  	s5 =	sld [smem:$0x3FFB];
	_ =	sdelay $0x3  }
0x94: {  	_ =	strace s5  }
0x95: {  	s5 =	sld [smem:$0x3FFC];
	_ =	sdelay $0x3  }
0x96: {  	_ =	strace s5  }
0x97: {  	s5 =	sld [smem:$0x3FFD];
	_ =	sdelay $0x3  }
0x98: {  	_ =	strace s5  }
0x99: {  	_ =	strace $0x8FFFFFFF  }
0x9a: {  	s19 =	sld [smem:$0x3FDB];
	_ =	sdelay $0x1  }
0x9b: {  	s6 =	simm.s32 $_scs_section_size  }
0x9c: {  	s7 =	simm.s32 $_size__tile_overlayer_lowered;
	s8 =	simm.s32 $_tile_overlayer_lowered  }
0x9d: {  	s22 =	simm.s32 $0x1BFF;
	s21 =	sshll.u32 s8, $0x1;
	s5 =	sadd.s32 s6, s19  }
0x9e: {  	s9 =	simm.s32 $0x0;
	s20 =	sshll.u32 s7, $0x1;
	s7 =	sadd.s32 s21, s5  }
0x9f: {  	[timem:s9], [sflag:s22] =	dma.local [hbm:s7], s20  }
0xa0: {  	_ =	swait.ge [sflag:s22], s20  }
0xa1: {  	s6 =	ssub.s32 $0x0, s20;
	[sflag:s22] =	ssyncset.done $0x0  }
0xa2: {  	[sflag:s22] =	ssyncadd.s32 s6;
	_ =	sdelay $0x1  }
0xa3: {  	s23 =	simm.s32 $0x1B8B  }
0xa4: {  	_ =	swait.ge [sflag:s23], $0x1  }
0xa5: {  	[sflag:s23] =	ssyncset.done $0x0  }
0xa6: {  	s25 =	simm.s32 $0x1B8E;
	s24 =	sld [smem:$0x3FFE];
	[sflag:s23] =	ssyncadd.s32 $0xFFFFFFFF  }
0xa7: {  	s26 =	simm.s32 $execute0_lowered;
	[smem:$0x3FD2] =	sst s25  }
0xa8: {  	s7 =	sshll.u32 s26, $0x1;
	_ =	strace $0x80000046;
	[dreg:$0x1] =	wrdreg $0xFFFFFFFF  }
0xa9: {  	s28 =	simm.s32 $_size_execute0_lowered;
	s5 =	sadd.s32 s5, s7;
	[dreg:$0x0] =	wrdreg $0x0  }
0xaa: {  	s7 =	sshll.u32 s28, $0x1;
	[dreg:$0x2] =	wrdreg s5  }
0xab: {  	[dreg:$0x3] =	wrdreg s7  }
0xac: {  	[dreg:$0x4] =	wrdreg $0xC0  }
0xad: {  	_ =	task [dreg:s9], $0x5FFFF  }
0xae: {  	[dreg:$0x1] =	wrdreg $0xFFFFFFFF  }
0xaf: {  	[dreg:$0x0] =	wrdreg $0x60  }
0xb0: {  	[dreg:$0x2] =	wrdreg s2  }
0xb1: {  	[dreg:$0x3] =	wrdreg s18  }
0xb2: {  	[dreg:$0x4] =	wrdreg s4  }
0xb3: {  	[dreg:$0x5] =	wrdreg s24  }
0xb4: {  	[dreg:$0x6] =	wrdreg $0x9  }
0xb5: {  	_ =	task.clear_ibuf [dreg:s9], $0x7FFFF;
	_ =	strace $0x90000046  }
0xb6: {  	s29 =	simm.s32 $0x9;
	_ =	strace $0x80000048  }
0xb7: {  	_ =	swait.ge [sflag:s29], $0x1  }
0xb8: {  	[sflag:s29] =	ssyncadd.s32 $0xFFFFFFFF  }
0xb9: {  	_ =	strace $0x90000048  }
0xba: {  	_ =	sfence  }
0xbb: {  	s30 =	sld [smem:$0x0];
	_ =	sdelay $0x2  }
0xbc: {  	s31 =	sshll.u32 s1, $0xD;
	s1 =	sshrl.u32 s1, $0x2  }
0xbd: {  	s3 =	sand.u32 $0x4000, s31;
	s1 =	sadd.s32 s1, s30  }
0xbe: {  	s0 =	sor.u32 s3, s0;
	s1 =	sshll.u32 s1, $0x11  }
0xbf: {  	s0 =	sor.u32 s1, s0  }
0xc0: {  	s0 =	sadd.s32 $0x8F2B, s0  }
0xc1: {  	[sflag:s0] =	ssyncadd.remote.s32 $0x1  }
0xc2: {  	_ =	sfence.sel $0xFFFF  }
0xc3: {  	[dreg:$0x0] =	wrdreg $0xFFFFFFFF;
	(pc) =	sbr.abs _section_cstart, $3  }
0xc4: {  	[dreg:$0x1] =	wrdreg $0xFFFFFFFF  }
0xc5: {  	_ =	task.clear_ibuf [dreg:s9], $0x2FFFF;
	_ =	strace $0x9FFFFFFF  }
0xc6: {  	(tm) =	ssettm $0x7FFFFFFF  }
0xc7: {  	_ =	shalt  }
tec
execute0_lowered:
.L_overlay_start_1:
0x0: {  	(tag) =	ssettag $0x1  }
0x1: {  	s1 =	rddreg [dreg:$0x0]  }
0x2: {  	s0 =	srdreg.scid;
	s2 =	rddreg [dreg:$0x1]  }
0x3: {  	s6 =	stileid.u32;
	s23 =	rddreg [dreg:$0x3];
	s4 =	simm.s32 $0x1  }
0x4: {  	s5 =	simm.s32 $0x64;
	s24 =	simm.s32 $0x0;
	s18 =	simm.s32 $0x80  }
0x5: {  	s19 =	simm.s32 $0x400;
	s20 =	simm.s32 $0x4;
	s21 =	simm.s32 $0x100  }
0x6: {  	s28 =	simm.s32 $0x10400;
	s29 =	simm.s32 $0x2;
	s0 =	sand.u32 $0x1, s0  }
0x7: {  	s30 =	simm.s32 $0x3;
	[smem:$0x7FF] =	sst s24;
	s3 =	sor.u32 s0, s6  }
0x8: {  	p1 =	seq.s32 s0, $0x1;
	s0 =	ssub.s32 $0x2, s0;
	p0 =	seq.s32 s3, $0x0  }
0x9: {  	_ =	strace $0x80000047;
	s5 =	simm.s32 @!p1 $0x0;
	p0 =	por !p0, !p1  }
0xa: {  	s25 =	sshrl.u32 s0, $0x1;
	s7 =	sshll.u32 s5, $0xC;
	p0 =	por !p0, !p0  }
0xb: {  	s9 =	sshll.u32 s5, $0x7;
	s0 =	ssub.s32 s0, s25;
	s4 =	simm.s32 @!p0 $0x0  }
0xc: {  	s31 =	sor.u32 $0x2, s5;
	s14 =	sor.u32 $0x3, s5;
	s4 =	ssub.s32 s6, s4  }
0xd: {  	s25 =	simm.s32 $0x8400;
	s8 =	sand.u32 $0x60000, s7;
	s6 =	sshll.u32 s4, $0xB  }
0xe: {  	s9 =	sand.u32 $0x200, s9;
	[dreg:$0x7] =	wrdreg s31;
	s8 =	sadd.s32 s8, s6  }
.Ltmp0:
0xf: {  	s0 =	smax.u32 s0, $0x1;
	s8 =	sor.u32 s9, s8;
	(pc) =	sbr.rel .LBB2_1-.Ltmp0, $4  }
0x10: {  	[dreg:$0x8] =	wrdreg s0;
	s12 =	smul.u32 $0x640000, s4;
	s10 =	sshrl.u32 s8, $0x3  }
0x11: {  	s8 =	sadd.s32 $0x400, s23;
	s23 =	simm.s32 $0x5;
	s26 =	sadd.s32 s1, s10  }
0x12: {  	s10 =	simm.s32 $0x1;
	[dreg:$0x5] =	wrdreg s26;
	s3 =	sadd.s32 $0x10, s26  }
0x13: {  	s26 =	simm.s32 $0x6400;
	[dreg:$0x6] =	wrdreg s3;
	s3 =	simm.s32 $0x0  }
.LBB2_10:
0x14: {  	_ =	swait.ge [sflag:s30], $0x8000  }
0x15: {  	s3 =	rddreg [dreg:$0x9]  }
0x16: {  	s0 =	rddreg [dreg:$0x8];
	s3 =	sadd.s32 $0x1, s3  }
0x17: {  	p0 =	sne.s32 s3, s0  }
.Ltmp1:
0x18: {  	_ = 	snop;
	(pc) =	sbr.rel @!p0 .LBB2_11-.Ltmp1, $3  }
0x19: {  	_ =	sdelay $0x1  }
0x1a: {  	[sflag:s30] =	ssyncset.done $0x0  }
0x1b: {  	[sflag:s30] =	ssyncadd.s32 $0xFFFF8000  }
.LBB2_1:
0x1c: {  	[dreg:$0x9] =	wrdreg s3  }
0x1d: {  	s0 =	rddreg [dreg:$0x2]  }
0x1e: {  	s16 =	simm.s32 $0x0;
	s4 =	simm.s32 $0x18400;
	s17 =	simm.s32 $0x6  }
0x1f: {  	[tilespmem:s4], [sflag:$0x6] =	stream.linear.gather [hbm4b:s0+s16], $0x3200, $0x38;
	[tilespmem:$0x1B600] =	vst v63  }
0x20: {  	_ =	swait.ge [sflag:s17], $0x3200  }
0x21: {  	[sflag:s17] =	ssyncset.done $0x0  }
0x22: {  	s22 =	rddreg [dreg:$0x5];
	[sflag:s17] =	ssyncadd.s32 $0xFFFFCE00  }
0x23: {  	[tilespmem:s16], [sflag:$0x4] =	stream.strided.gather [hbm4b:s22+s18], $0x100, s19, s18, $0x38;
	[tilespmem:$0x1B600] =	vst v63  }
0x24: {  	_ =	swait.ge [sflag:s20], $0x100  }
0x25: {  	[sflag:s20] =	ssyncset.done $0x0  }
0x26: {  	[sflag:s20] =	ssyncadd.s32 $0xFFFFFF00  }
0x27: {  	v0 =	vld [tilespmem:$0x0]  }
0x28: {  	v1 =	vld [tilespmem:$0x10]  }
0x29: {  	v2 =	vld [tilespmem:$0x20]  }
0x2a: {  	v3 =	vld [tilespmem:$0x30]  }
0x2b: {  	v4 =	vld [tilespmem:$0x40]  }
0x2c: {  	v5 =	vld [tilespmem:$0x50];
	v0 =	vshrl.u32 v0, $0x1  }
0x2d: {  	v40 =	vld [tilespmem:$0x60];
	v39 =	vshrl.u32 v1, $0x1;
	[tilespmem:$0x200] =	vst v0  }
0x2e: {  	v42 =	vld [tilespmem:$0x70];
	v41 =	vshrl.u32 v2, $0x1;
	[tilespmem:$0x210] =	vst v39  }
0x2f: {  	v44 =	vld [tilespmem:$0x80];
	v43 =	vshrl.u32 v3, $0x1;
	[tilespmem:$0x220] =	vst v41  }
0x30: {  	v46 =	vld [tilespmem:$0x90];
	v45 =	vshrl.u32 v4, $0x1;
	[tilespmem:$0x230] =	vst v43  }
0x31: {  	v48 =	vld [tilespmem:$0xA0];
	v47 =	vshrl.u32 v5, $0x1;
	[tilespmem:$0x240] =	vst v45  }
0x32: {  	v50 =	vld [tilespmem:$0xB0];
	v49 =	vshrl.u32 v40, $0x1;
	[tilespmem:$0x250] =	vst v47  }
0x33: {  	v52 =	vld [tilespmem:$0xC0];
	v51 =	vshrl.u32 v42, $0x1;
	[tilespmem:$0x260] =	vst v49  }
0x34: {  	v54 =	vld [tilespmem:$0xD0];
	v53 =	vshrl.u32 v44, $0x1;
	[tilespmem:$0x270] =	vst v51  }
0x35: {  	v56 =	vld [tilespmem:$0xE0];
	v55 =	vshrl.u32 v46, $0x1;
	[tilespmem:$0x280] =	vst v53  }
0x36: {  	v58 =	vld [tilespmem:$0xF0];
	v57 =	vshrl.u32 v48, $0x1;
	[tilespmem:$0x290] =	vst v55  }
0x37: {  	v59 =	vshrl.u32 v50, $0x1;
	[tilespmem:$0x2A0] =	vst v57  }
0x38: {  	v60 =	vshrl.u32 v52, $0x1;
	[tilespmem:$0x2B0] =	vst v59  }
0x39: {  	v61 =	vshrl.u32 v54, $0x1;
	[tilespmem:$0x2C0] =	vst v60  }
0x3a: {  	v62 =	vshrl.u32 v56, $0x1;
	[tilespmem:$0x2D0] =	vst v61  }
0x3b: {  	v63 =	vshrl.u32 v58, $0x1;
	[tilespmem:$0x2E0] =	vst v62  }
0x3c: {  	s24 =	simm.s32 $0x200;
	[tilespmem:$0x2F0] =	vst v63  }
0x3d: {  	[tilespmem:s19], [sflag:$0x1] =	stream.indirect.gather [hbm4b:s2+s21], $0x80, s24, s21, $0xb8;
	[tilespmem:$0x1B600] =	vst v63  }
0x3e: {  	s4 =	simm.s32 $0x0;
	s31 =	rddreg [dreg:$0x6]  }
0x3f: {  	[tilespmem:s21], [sflag:$0x5] =	stream.strided.gather [hbm4b:s31+s18], $0x100, s19, s18, $0x38;
	[tilespmem:$0x1B600] =	vst v63  }
.LBB2_2:
0x40: {  	_ =	swait.ge [sflag:s23], $0x100  }
0x41: {  	[sflag:s23] =	ssyncset.done $0x0  }
0x42: {  	[sflag:s23] =	ssyncadd.s32 $0xFFFFFF00  }
0x43: {  	v0 =	vld [tilespmem:$0x100]  }
0x44: {  	v1 =	vld [tilespmem:$0x110]  }
0x45: {  	v2 =	vld [tilespmem:$0x120]  }
0x46: {  	v3 =	vld [tilespmem:$0x130]  }
0x47: {  	v4 =	vld [tilespmem:$0x140]  }
0x48: {  	v5 =	vld [tilespmem:$0x150];
	v0 =	vshrl.u32 v0, $0x1  }
0x49: {  	[tilespmem:$0x300] =	vst v0;
	v0 =	vshrl.u32 v1, $0x1;
	v1 =	vld [tilespmem:$0x160]  }
0x4a: {  	[tilespmem:$0x310] =	vst v0;
	v0 =	vshrl.u32 v2, $0x1;
	v2 =	vld [tilespmem:$0x170]  }
0x4b: {  	[tilespmem:$0x320] =	vst v0;
	v0 =	vshrl.u32 v3, $0x1;
	v3 =	vld [tilespmem:$0x180]  }
0x4c: {  	[tilespmem:$0x330] =	vst v0;
	v0 =	vshrl.u32 v4, $0x1;
	v4 =	vld [tilespmem:$0x190]  }
0x4d: {  	[tilespmem:$0x340] =	vst v0;
	v0 =	vshrl.u32 v5, $0x1;
	v5 =	vld [tilespmem:$0x1A0]  }
0x4e: {  	[tilespmem:$0x350] =	vst v0;
	v0 =	vshrl.u32 v1, $0x1;
	v1 =	vld [tilespmem:$0x1B0]  }
0x4f: {  	[tilespmem:$0x360] =	vst v0;
	v0 =	vshrl.u32 v2, $0x1;
	v2 =	vld [tilespmem:$0x1C0]  }
0x50: {  	[tilespmem:$0x370] =	vst v0;
	v0 =	vshrl.u32 v3, $0x1;
	v3 =	vld [tilespmem:$0x1D0]  }
0x51: {  	[tilespmem:$0x380] =	vst v0;
	v0 =	vshrl.u32 v4, $0x1;
	v4 =	vld [tilespmem:$0x1E0]  }
0x52: {  	[tilespmem:$0x390] =	vst v0;
	v0 =	vshrl.u32 v5, $0x1;
	v5 =	vld [tilespmem:$0x1F0]  }
0x53: {  	[tilespmem:$0x3A0] =	vst v0;
	v0 =	vshrl.u32 v1, $0x1  }
0x54: {  	[tilespmem:$0x3B0] =	vst v0;
	v0 =	vshrl.u32 v2, $0x1  }
0x55: {  	[tilespmem:$0x3C0] =	vst v0;
	v0 =	vshrl.u32 v3, $0x1  }
0x56: {  	[tilespmem:$0x3D0] =	vst v0;
	v0 =	vshrl.u32 v4, $0x1  }
0x57: {  	[tilespmem:$0x3E0] =	vst v0;
	v0 =	vshrl.u32 v5, $0x1  }
0x58: {  	s0 =	simm.s32 $0x300;
	[tilespmem:$0x3F0] =	vst v0  }
0x59: {  	[tilespmem:s25], [sflag:$0x2] =	stream.indirect.gather [hbm4b:s2+s21], $0x80, s0, s21, $0xb8;
	[tilespmem:$0x1B600] =	vst v63  }
0x5a: {  	_ =	swait.ge [sflag:s10], $0x8000  }
0x5b: {  	p0 =	seq.s32 s4, $0x0;
	[sflag:s10] =	ssyncset.done $0x0  }
0x5c: {  	s9 =	simm.s32 @!p0 $0x3;
	[sflag:s10] =	ssyncadd.s32 $0xFFFF8000  }
0x5d: {  	s0 =	sshll.u32 s4, $0x1;
	_ =	swait.ge @!p0 [sflag:s9], $0x8000  }
0x5e: {  	s24 =	simm.s32 $0x0;
	s3 =	sadd.s32 s5, s0;
	[sflag:s9] =	ssyncset.done @!p0 $0x0  }
0x5f: {  	s15 =	sand.u32 $0xF0, s24;
	s11 =	sshll.u32 s3, $0x6;
	[sflag:s9] =	ssyncadd.s32 @!p0 $0xFFFF8000  }
0x60: {  	s22 =	sand.u32 $0x3FFFFFC0, s11;
	v0 =	vld [tilespmem:s15+$0x0]  }
0x61: {  	s7 =	simm.s32 $0x0;
	v2 =	vld [tilespmem:s22+$0x18400]  }
0x62: {  	s16 =	simm.s32 $0x500;
	v3 =	vld [tilespmem:s22+$0x18410];
	s15 =	sand.u32 $0xFFFFFFF0, s7  }
0x63: {  	v4 =	vld [tilespmem:s16+$0x80];
	s15 =	ssub.s32 $0xFFFFFFFC, s15  }
0x64: {  	v5 =	vld [tilespmem:s16+$0xC0];
	s17 =	sadd.s32 $0x7, s15  }
0x65: {  	v7 =	vld [tilespmem:s16+$0xFFFFFF00];
	v6 =	vand.u32 $0x1, v0;
	v0 =	vmov s17  }
0x66: {  	s11 =	sand.u32 $0xC, s24;
	v8 =	vld [tilespmem:s16+$0xFFFFFF40];
	v9 =	vperm.xlane v6, v0  }
0x67: {  	v10 =	vmov s11;
	v1 =	vld [tilespmem:s22+$0x18420]  }
0x68: {  	v11 =	vld [tilespmem:s16+$0xFFFFFF80];
	v10 =	vperm.xlane v6, v10;
	vm4 =	veq.s32 v9, $0x1  }
0x69: {  	s13 =	sadd.s32 $0x5, s15;
	v9 =	vld [tilespmem:s16+$0xFFFFFFC0];
	v4 =	vsel vm4, v5, v4  }
0x6a: {  	v12 =	vld [tilespmem:s16+$0x40];
	vm1 =	veq.s32 v10, $0x1;
	v5 =	vmov s13;
	v4 =	vadd.f32 v4, v2  }
0x6b: {  	s11 =	simm.s32 $0x10500;
	s17 =	sadd.s32 $0x6, s15;
	v10 =	vld [tilespmem:s16+$0x0];
	v7 =	vsel vm1, v8, v7;
	v5 =	vperm.xlane v6, v5  }
0x6c: {  	v0 =	vld [tilespmem:s22+$0x18430];
	v8 =	vmov s17;
	v7 =	vadd.f32 v7, v2;
	[tilespmem:s11+$0x80] =	vst v4  }
0x6d: {  	v4 =	vperm.xlane v6, v8;
	vm0 =	veq.s32 v5, $0x1;
	v5 =	vld [tilespmem:s16+$0x90]  }
0x6e: {  	[tilespmem:s11+$0xFFFFFF00] =	vst v7;
	v6 =	vsel vm0, v9, v11;
	v7 =	vld [tilespmem:s16+$0xD0]  }
0x6f: {  	v9 =	vld [tilespmem:s16+$0xFFFFFF50];
	vm3 =	veq.s32 v4, $0x1;
	v4 =	vadd.f32 v6, v2  }
0x70: {  	v6 =	vld [tilespmem:s16+$0xFFFFFF10];
	v8 =	vsel vm3, v12, v10  }
0x71: {  	s9 =	simm.s32 $0x700;
	[tilespmem:s11+$0xFFFFFF80] =	vst v4;
	v4 =	vadd.f32 v8, v2  }
0x72: {  	v52 =	vld [tilespmem:s9+$0x80]  }
0x73: {  	v13 =	vld [tilespmem:s9+$0xC0];
	[tilespmem:s11+$0x0] =	vst v4  }
0x74: {  	vm5 =	vmmov vm1;
	v4 =	vsel vm4, v7, v5;
	v5 =	vld [tilespmem:s16+$0x10]  }
0x75: {  	v7 =	vld [tilespmem:s16+$0x50];
	v6 =	vsel vm5, v9, v6  }
0x76: {  	v14 =	vld [tilespmem:s9+$0xFFFFFF00];
	v6 =	vadd.f32 v6, v3  }
0x77: {  	v8 =	vld [tilespmem:s16+$0xFFFFFF90]  }
0x78: {  	v10 =	vld [tilespmem:s16+$0xFFFFFFD0];
	[tilespmem:s11+$0xFFFFFF10] =	vst v6  }
0x79: {  	v4 =	vadd.f32 v4, v3;
	v9 =	vld [tilespmem:s16+$0xFFFFFF20]  }
0x7a: {  	v5 =	vsel vm3, v7, v5;
	v7 =	vld [tilespmem:s16+$0xFFFFFF60]  }
0x7b: {  	v16 =	vld [tilespmem:s9+$0xFFFFFF40];
	[tilespmem:s11+$0x90] =	vst v4  }
0x7c: {  	v4 =	vld [tilespmem:s16+$0xA0]  }
0x7d: {  	s17 =	simm.s32 $0x4;
	v8 =	vsel vm0, v10, v8;
	v6 =	vld [tilespmem:s16+$0xE0]  }
0x7e: {  	v18 =	vld [tilespmem:s9+$0xFFFFFF80];
	s22 =	sand.u32 $0xF0, s17;
	v8 =	vadd.f32 v8, v3  }
0x7f: {  	v7 =	vsel vm5, v7, v9;
	v9 =	vld [tilespmem:s22+$0x0]  }
0x80: {  	v53 =	vld [tilespmem:s9+$0xFFFFFFC0];
	[tilespmem:s11+$0xFFFFFF90] =	vst v8;
	s22 =	simm.s32 $0x4  }
0x81: {  	v5 =	vadd.f32 v5, v3;
	v8 =	vld [tilespmem:s16+$0xFFFFFFA0];
	s24 =	sand.u32 $0xFFFFFFF0, s22  }
0x82: {  	v10 =	vld [tilespmem:s16+$0xFFFFFFE0];
	v4 =	vsel vm4, v6, v4;
	s15 =	ssub.s32 $0x0, s24  }
0x83: {  	v55 =	vld [tilespmem:s9+$0x0];
	[tilespmem:s11+$0x10] =	vst v5;
	v4 =	vadd.f32 v4, v1;
	s31 =	sadd.s32 $0x7, s15  }
0x84: {  	v5 =	vld [tilespmem:s16+$0x20];
	v15 =	vmov s31;
	v9 =	vand.u32 $0x1, v9  }
0x85: {  	v6 =	vld [tilespmem:s16+$0x60];
	v7 =	vadd.f32 v7, v1;
	[tilespmem:s11+$0xA0] =	vst v4;
	s31 =	sand.u32 $0xC, s17;
	v15 =	vperm.xlane v9, v15  }
0x86: {  	vm6 =	vmmov vm0;
	v4 =	vld [tilespmem:s16+$0xB0];
	v17 =	vmov s31  }
0x87: {  	v8 =	vsel vm6, v10, v8;
	[tilespmem:s11+$0xFFFFFF20] =	vst v7;
	v7 =	vld [tilespmem:s16+$0xF0];
	s31 =	sadd.s32 $0x5, s15;
	v10 =	vperm.xlane v9, v17;
	vm0 =	veq.s32 v15, $0x1  }
0x88: {  	v8 =	vadd.f32 v8, v1;
	v11 =	vld [tilespmem:s16+$0xFFFFFF30];
	v54 =	vmov s31;
	v12 =	vsel vm0, v13, v52  }
0x89: {  	s15 =	sadd.s32 $0x6, s15;
	v15 =	vperm.xlane v9, v54;
	vm1 =	veq.s32 v10, $0x1;
	v10 =	vld [tilespmem:s9+$0x40];
	v12 =	vadd.f32 v12, v2  }
0x8a: {  	v56 =	vld [tilespmem:s16+$0xFFFFFF70];
	[tilespmem:s11+$0xFFFFFFA0] =	vst v8;
	v8 =	vmov s15;
	s31 =	simm.s32 $0x10700;
	v14 =	vsel vm1, v16, v14  }
0x8b: {  	v57 =	vld [tilespmem:s16+$0xFFFFFFB0];
	v8 =	vperm.xlane v9, v8;
	vm7 =	veq.s32 v15, $0x1;
	v9 =	vadd.f32 v14, v2;
	[tilespmem:s31+$0x80] =	vst v12  }
0x8c: {  	v58 =	vsel vm7, v53, v18;
	v59 =	vld [tilespmem:s9+$0x90]  }
0x8d: {  	vm2 =	veq.s32 v8, $0x1;
	[tilespmem:s31+$0xFFFFFF00] =	vst v9;
	v8 =	vadd.f32 v58, v2;
	v9 =	vld [tilespmem:s9+$0xD0]  }
0x8e: {  	v60 =	vld [tilespmem:s9+$0xFFFFFF10];
	v10 =	vsel vm2, v10, v55  }
0x8f: {  	v61 =	vld [tilespmem:s9+$0xFFFFFF50];
	[tilespmem:s31+$0xFFFFFF80] =	vst v8;
	v8 =	vadd.f32 v10, v2  }
0x90: {  	v10 =	vld [tilespmem:s9+$0xFFFFFF90]  }
0x91: {  	v5 =	vsel vm3, v6, v5;
	v6 =	vld [tilespmem:s9+$0xFFFFFFD0];
	[tilespmem:s31+$0x0] =	vst v8  }
0x92: {  	v5 =	vadd.f32 v5, v1;
	v8 =	vld [tilespmem:s9+$0x10];
	v9 =	vsel vm0, v9, v59  }
0x93: {  	vm1 =	vmmov vm1;
	v62 =	vld [tilespmem:s9+$0x50];
	v9 =	vadd.f32 v9, v3  }
0x94: {  	v63 =	vld [tilespmem:s16+$0xFFFFFFF0];
	[tilespmem:s11+$0x20] =	vst v5;
	v5 =	vsel vm1, v61, v60  }
0x95: {  	v7 =	vsel vm4, v7, v4;
	v4 =	vld [tilespmem:s16+$0x30];
	v5 =	vadd.f32 v5, v3;
	[tilespmem:s31+$0x90] =	vst v9  }
0x96: {  	v7 =	vadd.f32 v7, v0;
	v6 =	vsel vm7, v6, v10;
	v10 =	vld [tilespmem:s9+$0xA0]  }
0x97: {  	v9 =	vsel vm5, v56, v11;
	[tilespmem:s31+$0xFFFFFF10] =	vst v5;
	v5 =	vadd.f32 v6, v3;
	v11 =	vld [tilespmem:s9+$0xE0]  }
0x98: {  	[tilespmem:s11+$0xB0] =	vst v7;
	v7 =	vadd.f32 v9, v0;
	v6 =	vld [tilespmem:s9+$0xFFFFFF20];
	v9 =	vsel vm2, v62, v8  }
0x99: {  	v8 =	vld [tilespmem:s9+$0xFFFFFF60];
	[tilespmem:s31+$0xFFFFFF90] =	vst v5;
	v5 =	vadd.f32 v9, v3;
	v9 =	vsel vm6, v63, v57  }
0x9a: {  	[tilespmem:s11+$0xFFFFFF30] =	vst v7;
	v7 =	vld [tilespmem:s9+$0xFFFFFFA0];
	v12 =	vadd.f32 v9, v0  }
0x9b: {  	v9 =	vld [tilespmem:s9+$0xFFFFFFE0];
	[tilespmem:s31+$0x10] =	vst v5  }
0x9c: {  	s15 =	sshllo.u32 s4, $0x1;
	vm4 =	vmmov vm3;
	vm3 =	vmmov vm7;
	v5 =	vld [tilespmem:s9+$0x20];
	[tilespmem:s11+$0xFFFFFFB0] =	vst v12;
	v10 =	vsel vm0, v11, v10  }
.LBB2_3:
0x9d: {  	v11 =	vld [tilespmem:s9+$0x60];
	v10 =	vadd.f32 v10, v1;
	s7 =	smov.u32 s17;
	s17 =	sadd.s32 $0x4, s17  }
0x9e: {  	s13 =	sand.u32 $0xF0, s17;
	s24 =	sand.u32 $0xC, s17;
	v6 =	vsel vm1, v8, v6;
	v8 =	vld [tilespmem:s16+$0x70];
	s16 =	smov.u32 s9  }
0x9f: {  	v12 =	vld [tilespmem:s13+$0x0];
	v13 =	vmov s24;
	v6 =	vadd.f32 v6, v1;
	[tilespmem:s31+$0xA0] =	vst v10  }
0xa0: {  	v7 =	vsel vm3, v9, v7;
	v9 =	vld [tilespmem:s9+$0xB0]  }
0xa1: {  	s22 =	sadd.s32 $0x4, s22;
	p0 =	slt.u32 s17, $0xFC;
	[tilespmem:s31+$0xFFFFFF20] =	vst v6;
	v6 =	vadd.f32 v7, v1;
	v7 =	vld [tilespmem:s9+$0xF0]  }
0xa2: {  	s13 =	sand.u32 $0xFFFFFFF0, s22;
	s9 =	sadd.s32 $0x200, s9;
	v10 =	vld [tilespmem:s16+$0xFFFFFF30];
	v5 =	vsel vm2, v11, v5  }
0xa3: {  	s7 =	ssub.s32 s7, s13;
	v11 =	vld [tilespmem:s9+$0x80];
	[tilespmem:s31+$0xFFFFFFA0] =	vst v6;
	v5 =	vadd.f32 v5, v1;
	v4 =	vsel vm4, v8, v4;
	vm4 =	vmmov vm2  }
0xa4: {  	s13 =	sadd.s32 $0x5, s7;
	s24 =	sadd.s32 $0x6, s7;
	s7 =	sadd.s32 $0x7, s7;
	v6 =	vld [tilespmem:s9+$0xC0];
	v4 =	vadd.f32 v4, v0  }
0xa5: {  	v14 =	vmov s13;
	v15 =	vmov s7;
	v8 =	vand.u32 $0x1, v12;
	v12 =	vld [tilespmem:s9+$0xFFFFFF00];
	[tilespmem:s31+$0x20] =	vst v5  }
0xa6: {  	v16 =	vmov s24;
	v15 =	vperm.xlane v8, v15;
	v5 =	vld [tilespmem:s9+$0xFFFFFF40];
	v7 =	vsel vm0, v7, v9;
	[tilespmem:s11+$0x30] =	vst v4;
	s11 =	smov.u32 s31  }
0xa7: {  	v4 =	vperm.xlane v8, v13;
	v9 =	vperm.xlane v8, v14;
	v13 =	vld [tilespmem:s9+$0xFFFFFF80];
	v7 =	vadd.f32 v7, v0  }
0xa8: {  	v8 =	vperm.xlane v8, v16;
	vm0 =	veq.s32 v15, $0x1;
	v14 =	vld [tilespmem:s9+$0xFFFFFFC0]  }
0xa9: {  	vm6 =	veq.s32 v4, $0x1;
	vm5 =	veq.s32 v9, $0x1;
	v4 =	vld [tilespmem:s9+$0x0];
	v6 =	vsel vm0, v6, v11;
	[tilespmem:s31+$0xB0] =	vst v7  }
0xaa: {  	vm2 =	veq.s32 v8, $0x1;
	v7 =	vld [tilespmem:s9+$0x40];
	v6 =	vadd.f32 v6, v2  }
0xab: {  	s31 =	sadd.s32 $0x200, s31;
	v5 =	vsel vm6, v5, v12;
	v8 =	vld [tilespmem:s16+$0xFFFFFF70]  }
0xac: {  	v5 =	vadd.f32 v5, v2;
	[tilespmem:s31+$0x80] =	vst v6;
	v9 =	vld [tilespmem:s16+$0xFFFFFFB0]  }
0xad: {  	v6 =	vsel vm5, v14, v13;
	v11 =	vld [tilespmem:s9+$0x90]  }
0xae: {  	[tilespmem:s31+$0xFFFFFF00] =	vst v5;
	v5 =	vadd.f32 v6, v2;
	v6 =	vld [tilespmem:s9+$0xD0]  }
0xaf: {  	v12 =	vld [tilespmem:s9+$0xFFFFFF10];
	v4 =	vsel vm2, v7, v4  }
0xb0: {  	v7 =	vld [tilespmem:s9+$0xFFFFFF50];
	[tilespmem:s31+$0xFFFFFF80] =	vst v5;
	v4 =	vadd.f32 v4, v2;
	v5 =	vsel vm1, v8, v10;
	vm1 =	vmmov vm6  }
0xb1: {  	v8 =	vld [tilespmem:s9+$0xFFFFFF90];
	v5 =	vadd.f32 v5, v0  }
0xb2: {  	v10 =	vld [tilespmem:s9+$0xFFFFFFD0];
	[tilespmem:s31+$0x0] =	vst v4  }
0xb3: {  	v13 =	vld [tilespmem:s9+$0x10];
	v4 =	vsel vm0, v6, v11;
	[tilespmem:s11+$0xFFFFFF30] =	vst v5  }
0xb4: {  	v5 =	vld [tilespmem:s9+$0x50];
	v4 =	vadd.f32 v4, v3  }
0xb5: {  	v6 =	vsel vm1, v7, v12;
	v7 =	vld [tilespmem:s16+$0xFFFFFFF0]  }
0xb6: {  	v6 =	vadd.f32 v6, v3;
	[tilespmem:s31+$0x90] =	vst v4;
	v4 =	vld [tilespmem:s16+$0x30]  }
0xb7: {  	v8 =	vsel vm5, v10, v8;
	v10 =	vld [tilespmem:s9+$0xA0]  }
0xb8: {  	[tilespmem:s31+$0xFFFFFF10] =	vst v6;
	v11 =	vadd.f32 v8, v3;
	v12 =	vld [tilespmem:s9+$0xE0]  }
.Ltmp2:
0xb9: {  	v6 =	vld [tilespmem:s9+$0xFFFFFF20];
	v5 =	vsel vm2, v5, v13;
	(pc) =	sbr.rel @p0 .LBB2_3-.Ltmp2, $4  }
0xba: {  	v8 =	vld [tilespmem:s9+$0xFFFFFF60];
	[tilespmem:s31+$0xFFFFFF90] =	vst v11;
	v5 =	vadd.f32 v5, v3;
	v9 =	vsel vm3, v7, v9;
	vm3 =	vmmov vm5  }
0xbb: {  	v7 =	vld [tilespmem:s9+$0xFFFFFFA0];
	v11 =	vadd.f32 v9, v0  }
0xbc: {  	v9 =	vld [tilespmem:s9+$0xFFFFFFE0];
	[tilespmem:s31+$0x10] =	vst v5  }
0xbd: {  	v5 =	vld [tilespmem:s9+$0x20];
	v10 =	vsel vm0, v12, v10;
	[tilespmem:s11+$0xFFFFFFB0] =	vst v11  }
0xbe: {  	v2 =	vld [tilespmem:s9+$0x60];
	v3 =	vadd.f32 v10, v1  }
0xbf: {  	v6 =	vsel vm1, v8, v6  }
0xc0: {  	v52 =	vld [tilespmem:s16+$0x70];
	v6 =	vadd.f32 v6, v1;
	[tilespmem:s31+$0xA0] =	vst v3  }
0xc1: {  	v53 =	vsel vm3, v9, v7;
	v54 =	vld [tilespmem:s9+$0xB0]  }
0xc2: {  	v55 =	vld [tilespmem:s9+$0xF0];
	[tilespmem:s31+$0xFFFFFF20] =	vst v6;
	v3 =	vadd.f32 v53, v1  }
0xc3: {  	v56 =	vld [tilespmem:s9+$0xFFFFFF30];
	v2 =	vsel vm2, v2, v5  }
0xc4: {  	v58 =	vld [tilespmem:s9+$0xFFFFFF70];
	[tilespmem:s31+$0xFFFFFFA0] =	vst v3;
	v57 =	vadd.f32 v2, v1  }
0xc5: {  	v3 =	vld [tilespmem:s9+$0xFFFFFFB0]  }
0xc6: {  	v59 =	vld [tilespmem:s9+$0xFFFFFFF0];
	[tilespmem:s31+$0x20] =	vst v57  }
0xc7: {  	v60 =	vld [tilespmem:s9+$0x30]  }
0xc8: {  	v61 =	vld [tilespmem:s9+$0x70]  }
0xc9: {  	v4 =	vsel vm4, v52, v4  }
0xca: {  	v4 =	vadd.f32 v4, v0;
	v6 =	vsel vm0, v55, v54  }
0xcb: {  	v6 =	vadd.f32 v6, v0;
	v2 =	vsel vm1, v58, v56  }
0xcc: {  	vm15 =	vmmov vm2;
	p0 =	seq.s32 s4, $0x31;
	[tilespmem:s11+$0x30] =	vst v4;
	v2 =	vadd.f32 v2, v0;
	v1 =	vsel vm3, v59, v3  }
.Ltmp3:
0xcd: {  	s3 =	sshll.u32 s3, $0x7;
	[tilespmem:s31+$0xB0] =	vst v6;
	v1 =	vadd.f32 v1, v0;
	v62 =	vsel vm15, v61, v60;
	(pc) =	sbr.rel @p0 .LBB2_6-.Ltmp3, $4  }
0xce: {  	s3 =	sadd.s32 s12, s3;
	[tilespmem:s31+$0xFFFFFF30] =	vst v2;
	v63 =	vadd.f32 v62, v0  }
0xcf: {  	s3 =	sshrl.u32 s3, $0x3;
	[tilespmem:s31+$0xFFFFFFB0] =	vst v1  }
0xd0: {  	s3 =	sadd.s32 s8, s3;
	[tilespmem:s31+$0x30] =	vst v63  }
0xd1: {  	[hbm4b:s3+s18] =	stream.strided.scatter [tilespmem:s28], [sflag:$0x3], $0x8000, s26, s18, $0x38;
	[tilespmem:$0x1B600] =	vst v63  }
0xd2: {  	s3 =	rddreg [dreg:$0x7]  }
0xd3: {  	s3 =	sadd.s32 s0, s3  }
0xd4: {  	s7 =	sshll.u32 s3, $0xC  }
0xd5: {  	s3 =	sshll.u32 s3, $0x7;
	s7 =	sand.u32 $0x1F8000, s7  }
0xd6: {  	s3 =	sand.u32 $0x300, s3;
	s7 =	sadd.s32 s6, s7  }
0xd7: {  	s3 =	sor.u32 s3, s7  }
0xd8: {  	s3 =	sshrl.u32 s3, $0x3  }
0xd9: {  	s24 =	simm.s32 $0x0;
	s3 =	sadd.s32 s1, s3  }
0xda: {  	[tilespmem:s24], [sflag:$0x4] =	stream.strided.gather [hbm4b:s3+s18], $0x100, s19, s18, $0x38;
	[tilespmem:$0x1B600] =	vst v63  }
0xdb: {  	_ =	swait.ge [sflag:s20], $0x100  }
0xdc: {  	[sflag:s20] =	ssyncset.done $0x0  }
0xdd: {  	[sflag:s20] =	ssyncadd.s32 $0xFFFFFF00  }
0xde: {  	v0 =	vld [tilespmem:$0x0]  }
0xdf: {  	v1 =	vld [tilespmem:$0x10]  }
0xe0: {  	v2 =	vld [tilespmem:$0x20]  }
0xe1: {  	v3 =	vld [tilespmem:$0x30]  }
0xe2: {  	v4 =	vld [tilespmem:$0x40]  }
0xe3: {  	v5 =	vld [tilespmem:$0x50];
	v0 =	vshrl.u32 v0, $0x1  }
0xe4: {  	v40 =	vld [tilespmem:$0x60];
	v39 =	vshrl.u32 v1, $0x1;
	[tilespmem:$0x200] =	vst v0  }
0xe5: {  	v42 =	vld [tilespmem:$0x70];
	v41 =	vshrl.u32 v2, $0x1;
	[tilespmem:$0x210] =	vst v39  }
0xe6: {  	v44 =	vld [tilespmem:$0x80];
	v43 =	vshrl.u32 v3, $0x1;
	[tilespmem:$0x220] =	vst v41  }
0xe7: {  	v46 =	vld [tilespmem:$0x90];
	v45 =	vshrl.u32 v4, $0x1;
	[tilespmem:$0x230] =	vst v43  }
0xe8: {  	v48 =	vld [tilespmem:$0xA0];
	v47 =	vshrl.u32 v5, $0x1;
	[tilespmem:$0x240] =	vst v45  }
0xe9: {  	v50 =	vld [tilespmem:$0xB0];
	v49 =	vshrl.u32 v40, $0x1;
	[tilespmem:$0x250] =	vst v47  }
0xea: {  	v52 =	vld [tilespmem:$0xC0];
	v51 =	vshrl.u32 v42, $0x1;
	[tilespmem:$0x260] =	vst v49  }
0xeb: {  	v54 =	vld [tilespmem:$0xD0];
	v53 =	vshrl.u32 v44, $0x1;
	[tilespmem:$0x270] =	vst v51  }
0xec: {  	v56 =	vld [tilespmem:$0xE0];
	v55 =	vshrl.u32 v46, $0x1;
	[tilespmem:$0x280] =	vst v53  }
0xed: {  	v58 =	vld [tilespmem:$0xF0];
	v57 =	vshrl.u32 v48, $0x1;
	[tilespmem:$0x290] =	vst v55  }
0xee: {  	v59 =	vshrl.u32 v50, $0x1;
	[tilespmem:$0x2A0] =	vst v57  }
0xef: {  	v60 =	vshrl.u32 v52, $0x1;
	[tilespmem:$0x2B0] =	vst v59  }
0xf0: {  	v61 =	vshrl.u32 v54, $0x1;
	[tilespmem:$0x2C0] =	vst v60  }
0xf1: {  	v62 =	vshrl.u32 v56, $0x1;
	[tilespmem:$0x2D0] =	vst v61  }
0xf2: {  	v63 =	vshrl.u32 v58, $0x1;
	[tilespmem:$0x2E0] =	vst v62  }
0xf3: {  	s31 =	simm.s32 $0x200;
	[tilespmem:$0x2F0] =	vst v63  }
0xf4: {  	[tilespmem:s19], [sflag:$0x1] =	stream.indirect.gather [hbm4b:s2+s21], $0x80, s31, s21, $0xb8;
	[tilespmem:$0x1B600] =	vst v63  }
.LBB2_6:
0xf5: {  	_ =	swait.ge [sflag:s29], $0x8000  }
0xf6: {  	[sflag:s29] =	ssyncset.done $0x0  }
0xf7: {  	[sflag:s29] =	ssyncadd.s32 $0xFFFF8000  }
0xf8: {  	_ =	swait.ge [sflag:s30], $0x8000  }
0xf9: {  	s9 =	simm.s32 $0x0;
	[sflag:s30] =	ssyncset.done $0x0  }
0xfa: {  	s3 =	sadd.s32 s5, s15;
	s11 =	sand.u32 $0xF0, s9;
	[sflag:s30] =	ssyncadd.s32 $0xFFFF8000  }
0xfb: {  	s7 =	sshll.u32 s3, $0x6;
	v0 =	vld [tilespmem:s11+$0x100]  }
0xfc: {  	s17 =	simm.s32 $0x0;
	s13 =	sor.u32 $0x50, s7;
	v2 =	vld [tilespmem:s7+$0x18400]  }
0xfd: {  	v3 =	vld [tilespmem:s13+$0x18400];
	s11 =	simm.s32 $0x8500;
	s13 =	sand.u32 $0xFFFFFFF0, s17  }
0xfe: {  	s13 =	ssub.s32 $0xFFFFFFFC, s13;
	v4 =	vld [tilespmem:s11+$0x80]  }
0xff: {  	v5 =	vld [tilespmem:s11+$0xC0];
	s22 =	sadd.s32 $0x7, s13  }
0x100: {  	v7 =	vld [tilespmem:s11+$0xFFFFFF00];
	v6 =	vand.u32 $0x1, v0;
	v0 =	vmov s22  }
0x101: {  	s9 =	sand.u32 $0xC, s9;
	v8 =	vld [tilespmem:s11+$0xFFFFFF40];
	v9 =	vperm.xlane v6, v0  }
0x102: {  	v10 =	vmov s9;
	v11 =	vld [tilespmem:s11+$0xFFFFFF80]  }
0x103: {  	s24 =	sadd.s32 $0x5, s13;
	v10 =	vperm.xlane v6, v10;
	vm4 =	veq.s32 v9, $0x1;
	v9 =	vld [tilespmem:s11+$0xFFFFFFC0]  }
0x104: {  	v12 =	vld [tilespmem:s11+$0x40];
	v4 =	vsel vm4, v5, v4;
	v5 =	vmov s24  }
0x105: {  	s16 =	sor.u32 $0x60, s7;
	s31 =	sadd.s32 $0x6, s13;
	vm1 =	veq.s32 v10, $0x1;
	v10 =	vld [tilespmem:s11+$0x0];
	v4 =	vadd.f32 v4, v2;
	v5 =	vperm.xlane v6, v5  }
0x106: {  	v1 =	vld [tilespmem:s16+$0x18400];
	s7 =	sor.u32 $0x70, s7;
	s16 =	simm.s32 $0x10500;
	v7 =	vsel vm1, v8, v7;
	v8 =	vmov s31  }
0x107: {  	v0 =	vld [tilespmem:s7+$0x18400];
	v7 =	vadd.f32 v7, v2;
	[tilespmem:s16+$0x80] =	vst v4;
	v4 =	vperm.xlane v6, v8;
	vm0 =	veq.s32 v5, $0x1  }
0x108: {  	v5 =	vld [tilespmem:s11+$0x90];
	v6 =	vsel vm0, v9, v11  }
0x109: {  	[tilespmem:s16+$0xFFFFFF00] =	vst v7;
	v7 =	vld [tilespmem:s11+$0xD0];
	vm3 =	veq.s32 v4, $0x1;
	v4 =	vadd.f32 v6, v2  }
0x10a: {  	v9 =	vld [tilespmem:s11+$0xFFFFFF50];
	v8 =	vsel vm3, v12, v10  }
0x10b: {  	v6 =	vld [tilespmem:s11+$0xFFFFFF10];
	[tilespmem:s16+$0xFFFFFF80] =	vst v4;
	v4 =	vadd.f32 v8, v2  }
0x10c: {  	v8 =	vld [tilespmem:s11+$0xFFFFFF90]  }
0x10d: {  	v10 =	vld [tilespmem:s11+$0xFFFFFFD0];
	[tilespmem:s16+$0x0] =	vst v4  }
0x10e: {  	v4 =	vsel vm4, v7, v5;
	v5 =	vld [tilespmem:s11+$0x10]  }
0x10f: {  	vm5 =	vmmov vm1;
	v4 =	vadd.f32 v4, v3;
	v7 =	vld [tilespmem:s11+$0x50]  }
0x110: {  	v6 =	vsel vm5, v9, v6  }
0x111: {  	v6 =	vadd.f32 v6, v3;
	[tilespmem:s16+$0x90] =	vst v4  }
0x112: {  	v4 =	vld [tilespmem:s11+$0xA0];
	v8 =	vsel vm0, v10, v8  }
0x113: {  	[tilespmem:s16+$0xFFFFFF10] =	vst v6;
	v6 =	vld [tilespmem:s11+$0xE0];
	v8 =	vadd.f32 v8, v3  }
0x114: {  	v9 =	vld [tilespmem:s11+$0xFFFFFF20];
	v5 =	vsel vm3, v7, v5  }
0x115: {  	v7 =	vld [tilespmem:s11+$0xFFFFFF60];
	[tilespmem:s16+$0xFFFFFF90] =	vst v8;
	v5 =	vadd.f32 v5, v3  }
0x116: {  	v8 =	vld [tilespmem:s11+$0xFFFFFFA0]  }
0x117: {  	v10 =	vld [tilespmem:s11+$0xFFFFFFE0];
	[tilespmem:s16+$0x10] =	vst v5  }
0x118: {  	s15 =	simm.s32 $0x4;
	v5 =	vld [tilespmem:s11+$0x20]  }
0x119: {  	s9 =	sand.u32 $0xF0, s15;
	v4 =	vsel vm4, v6, v4;
	v6 =	vld [tilespmem:s11+$0x60]  }
0x11a: {  	v7 =	vsel vm5, v7, v9;
	v9 =	vld [tilespmem:s9+$0x100];
	s9 =	simm.s32 $0x8700  }
0x11b: {  	v52 =	vld [tilespmem:s9+$0x80]  }
0x11c: {  	s22 =	simm.s32 $0x4;
	v13 =	vld [tilespmem:s9+$0xC0]  }
0x11d: {  	s13 =	sand.u32 $0xFFFFFFF0, s22;
	v14 =	vld [tilespmem:s9+$0xFFFFFF00]  }
0x11e: {  	s7 =	ssub.s32 $0x0, s13;
	v16 =	vld [tilespmem:s9+$0xFFFFFF40]  }
0x11f: {  	s17 =	sadd.s32 $0x7, s7;
	v4 =	vadd.f32 v4, v1;
	v18 =	vld [tilespmem:s9+$0xFFFFFF80]  }
0x120: {  	v15 =	vmov s17;
	v53 =	vld [tilespmem:s9+$0xFFFFFFC0];
	v9 =	vand.u32 $0x1, v9  }
0x121: {  	s24 =	sand.u32 $0xC, s15;
	v7 =	vadd.f32 v7, v1;
	[tilespmem:s16+$0xA0] =	vst v4;
	v55 =	vld [tilespmem:s9+$0x0];
	v15 =	vperm.xlane v9, v15  }
0x122: {  	v17 =	vmov s24;
	vm6 =	vmmov vm0;
	v4 =	vld [tilespmem:s11+$0xB0]  }
0x123: {  	s31 =	sadd.s32 $0x5, s7;
	v8 =	vsel vm6, v10, v8;
	[tilespmem:s16+$0xFFFFFF20] =	vst v7;
	v7 =	vld [tilespmem:s11+$0xF0];
	v10 =	vperm.xlane v9, v17;
	vm0 =	veq.s32 v15, $0x1  }
0x124: {  	v54 =	vmov s31;
	v8 =	vadd.f32 v8, v1;
	v11 =	vld [tilespmem:s11+$0xFFFFFF30];
	v12 =	vsel vm0, v13, v52  }
0x125: {  	s7 =	sadd.s32 $0x6, s7;
	v15 =	vperm.xlane v9, v54;
	vm1 =	veq.s32 v10, $0x1;
	v10 =	vld [tilespmem:s9+$0x40];
	v12 =	vadd.f32 v12, v2  }
0x126: {  	s17 =	simm.s32 $0x10700;
	v56 =	vld [tilespmem:s11+$0xFFFFFF70];
	[tilespmem:s16+$0xFFFFFFA0] =	vst v8;
	v8 =	vmov s7;
	v14 =	vsel vm1, v16, v14  }
0x127: {  	v8 =	vperm.xlane v9, v8;
	v57 =	vld [tilespmem:s11+$0xFFFFFFB0];
	vm7 =	veq.s32 v15, $0x1;
	v9 =	vadd.f32 v14, v2;
	[tilespmem:s17+$0x80] =	vst v12  }
0x128: {  	v58 =	vsel vm7, v53, v18;
	v59 =	vld [tilespmem:s9+$0x90]  }
0x129: {  	vm2 =	veq.s32 v8, $0x1;
	[tilespmem:s17+$0xFFFFFF00] =	vst v9;
	v8 =	vadd.f32 v58, v2;
	v9 =	vld [tilespmem:s9+$0xD0]  }
0x12a: {  	v60 =	vld [tilespmem:s9+$0xFFFFFF10];
	v10 =	vsel vm2, v10, v55  }
0x12b: {  	v61 =	vld [tilespmem:s9+$0xFFFFFF50];
	[tilespmem:s17+$0xFFFFFF80] =	vst v8;
	v8 =	vadd.f32 v10, v2  }
0x12c: {  	v10 =	vld [tilespmem:s9+$0xFFFFFF90]  }
0x12d: {  	v5 =	vsel vm3, v6, v5;
	v6 =	vld [tilespmem:s9+$0xFFFFFFD0];
	[tilespmem:s17+$0x0] =	vst v8  }
0x12e: {  	v5 =	vadd.f32 v5, v1;
	v8 =	vld [tilespmem:s9+$0x10];
	v9 =	vsel vm0, v9, v59  }
0x12f: {  	vm1 =	vmmov vm1;
	v62 =	vld [tilespmem:s9+$0x50];
	v9 =	vadd.f32 v9, v3  }
0x130: {  	v63 =	vld [tilespmem:s11+$0xFFFFFFF0];
	[tilespmem:s16+$0x20] =	vst v5;
	v5 =	vsel vm1, v61, v60  }
0x131: {  	v7 =	vsel vm4, v7, v4;
	v4 =	vld [tilespmem:s11+$0x30];
	v5 =	vadd.f32 v5, v3;
	[tilespmem:s17+$0x90] =	vst v9  }
0x132: {  	v7 =	vadd.f32 v7, v0;
	v6 =	vsel vm7, v6, v10;
	v10 =	vld [tilespmem:s9+$0xA0]  }
0x133: {  	v9 =	vsel vm5, v56, v11;
	[tilespmem:s17+$0xFFFFFF10] =	vst v5;
	v5 =	vadd.f32 v6, v3;
	v11 =	vld [tilespmem:s9+$0xE0]  }
0x134: {  	[tilespmem:s16+$0xB0] =	vst v7;
	v7 =	vadd.f32 v9, v0;
	v6 =	vld [tilespmem:s9+$0xFFFFFF20];
	v9 =	vsel vm2, v62, v8  }
0x135: {  	v8 =	vld [tilespmem:s9+$0xFFFFFF60];
	[tilespmem:s17+$0xFFFFFF90] =	vst v5;
	v5 =	vadd.f32 v9, v3;
	v9 =	vsel vm6, v63, v57  }
0x136: {  	[tilespmem:s16+$0xFFFFFF30] =	vst v7;
	v7 =	vld [tilespmem:s9+$0xFFFFFFA0];
	v12 =	vadd.f32 v9, v0  }
0x137: {  	v9 =	vld [tilespmem:s9+$0xFFFFFFE0];
	[tilespmem:s17+$0x10] =	vst v5  }
0x138: {  	vm4 =	vmmov vm3;
	vm3 =	vmmov vm7;
	v5 =	vld [tilespmem:s9+$0x20];
	[tilespmem:s16+$0xFFFFFFB0] =	vst v12;
	v10 =	vsel vm0, v11, v10  }
.LBB2_7:
0x139: {  	v11 =	vld [tilespmem:s9+$0x60];
	v10 =	vadd.f32 v10, v1;
	s7 =	smov.u32 s15;
	s15 =	sadd.s32 $0x4, s15  }
0x13a: {  	s13 =	sand.u32 $0xF0, s15;
	s24 =	sand.u32 $0xC, s15;
	v6 =	vsel vm1, v8, v6;
	v8 =	vld [tilespmem:s11+$0x70];
	s11 =	smov.u32 s9  }
0x13b: {  	v12 =	vld [tilespmem:s13+$0x100];
	v13 =	vmov s24;
	v6 =	vadd.f32 v6, v1;
	[tilespmem:s17+$0xA0] =	vst v10  }
0x13c: {  	v7 =	vsel vm3, v9, v7;
	v9 =	vld [tilespmem:s9+$0xB0]  }
0x13d: {  	s22 =	sadd.s32 $0x4, s22;
	p1 =	slt.u32 s15, $0xFC;
	[tilespmem:s17+$0xFFFFFF20] =	vst v6;
	v6 =	vadd.f32 v7, v1;
	v7 =	vld [tilespmem:s9+$0xF0]  }
0x13e: {  	s13 =	sand.u32 $0xFFFFFFF0, s22;
	s9 =	sadd.s32 $0x200, s9;
	v10 =	vld [tilespmem:s11+$0xFFFFFF30];
	v5 =	vsel vm2, v11, v5  }
0x13f: {  	s7 =	ssub.s32 s7, s13;
	v11 =	vld [tilespmem:s9+$0x80];
	[tilespmem:s17+$0xFFFFFFA0] =	vst v6;
	v5 =	vadd.f32 v5, v1;
	v4 =	vsel vm4, v8, v4;
	vm4 =	vmmov vm2  }
0x140: {  	s13 =	sadd.s32 $0x5, s7;
	s24 =	sadd.s32 $0x6, s7;
	s7 =	sadd.s32 $0x7, s7;
	v6 =	vld [tilespmem:s9+$0xC0];
	v4 =	vadd.f32 v4, v0  }
0x141: {  	v14 =	vmov s13;
	v15 =	vmov s7;
	v8 =	vand.u32 $0x1, v12;
	v12 =	vld [tilespmem:s9+$0xFFFFFF00];
	[tilespmem:s17+$0x20] =	vst v5  }
0x142: {  	v16 =	vmov s24;
	v15 =	vperm.xlane v8, v15;
	v5 =	vld [tilespmem:s9+$0xFFFFFF40];
	v7 =	vsel vm0, v7, v9;
	[tilespmem:s16+$0x30] =	vst v4;
	s16 =	smov.u32 s17  }
0x143: {  	v4 =	vperm.xlane v8, v13;
	v9 =	vperm.xlane v8, v14;
	v13 =	vld [tilespmem:s9+$0xFFFFFF80];
	v7 =	vadd.f32 v7, v0  }
0x144: {  	v8 =	vperm.xlane v8, v16;
	vm0 =	veq.s32 v15, $0x1;
	v14 =	vld [tilespmem:s9+$0xFFFFFFC0]  }
0x145: {  	vm6 =	veq.s32 v4, $0x1;
	vm5 =	veq.s32 v9, $0x1;
	v4 =	vld [tilespmem:s9+$0x0];
	v6 =	vsel vm0, v6, v11;
	[tilespmem:s17+$0xB0] =	vst v7  }
0x146: {  	vm2 =	veq.s32 v8, $0x1;
	v7 =	vld [tilespmem:s9+$0x40];
	v6 =	vadd.f32 v6, v2  }
0x147: {  	s17 =	sadd.s32 $0x200, s17;
	v5 =	vsel vm6, v5, v12;
	v8 =	vld [tilespmem:s11+$0xFFFFFF70]  }
0x148: {  	v5 =	vadd.f32 v5, v2;
	[tilespmem:s17+$0x80] =	vst v6;
	v9 =	vld [tilespmem:s11+$0xFFFFFFB0]  }
0x149: {  	v6 =	vsel vm5, v14, v13;
	v11 =	vld [tilespmem:s9+$0x90]  }
0x14a: {  	[tilespmem:s17+$0xFFFFFF00] =	vst v5;
	v5 =	vadd.f32 v6, v2;
	v6 =	vld [tilespmem:s9+$0xD0]  }
0x14b: {  	v12 =	vld [tilespmem:s9+$0xFFFFFF10];
	v4 =	vsel vm2, v7, v4  }
0x14c: {  	v7 =	vld [tilespmem:s9+$0xFFFFFF50];
	[tilespmem:s17+$0xFFFFFF80] =	vst v5;
	v4 =	vadd.f32 v4, v2;
	v5 =	vsel vm1, v8, v10;
	vm1 =	vmmov vm6  }
0x14d: {  	v8 =	vld [tilespmem:s9+$0xFFFFFF90];
	v5 =	vadd.f32 v5, v0  }
0x14e: {  	v10 =	vld [tilespmem:s9+$0xFFFFFFD0];
	[tilespmem:s17+$0x0] =	vst v4  }
0x14f: {  	v13 =	vld [tilespmem:s9+$0x10];
	v4 =	vsel vm0, v6, v11;
	[tilespmem:s16+$0xFFFFFF30] =	vst v5  }
0x150: {  	v5 =	vld [tilespmem:s9+$0x50];
	v4 =	vadd.f32 v4, v3  }
0x151: {  	v6 =	vsel vm1, v7, v12;
	v7 =	vld [tilespmem:s11+$0xFFFFFFF0]  }
0x152: {  	v6 =	vadd.f32 v6, v3;
	[tilespmem:s17+$0x90] =	vst v4;
	v4 =	vld [tilespmem:s11+$0x30]  }
0x153: {  	v8 =	vsel vm5, v10, v8;
	v10 =	vld [tilespmem:s9+$0xA0]  }
0x154: {  	[tilespmem:s17+$0xFFFFFF10] =	vst v6;
	v11 =	vadd.f32 v8, v3;
	v12 =	vld [tilespmem:s9+$0xE0]  }
.Ltmp4:
0x155: {  	v6 =	vld [tilespmem:s9+$0xFFFFFF20];
	v5 =	vsel vm2, v5, v13;
	(pc) =	sbr.rel @p1 .LBB2_7-.Ltmp4, $4  }
0x156: {  	v8 =	vld [tilespmem:s9+$0xFFFFFF60];
	[tilespmem:s17+$0xFFFFFF90] =	vst v11;
	v5 =	vadd.f32 v5, v3;
	v9 =	vsel vm3, v7, v9;
	vm3 =	vmmov vm5  }
0x157: {  	v7 =	vld [tilespmem:s9+$0xFFFFFFA0];
	v11 =	vadd.f32 v9, v0  }
0x158: {  	v9 =	vld [tilespmem:s9+$0xFFFFFFE0];
	[tilespmem:s17+$0x10] =	vst v5  }
0x159: {  	v5 =	vld [tilespmem:s9+$0x20];
	v10 =	vsel vm0, v12, v10;
	[tilespmem:s16+$0xFFFFFFB0] =	vst v11  }
0x15a: {  	v2 =	vld [tilespmem:s9+$0x60];
	v3 =	vadd.f32 v10, v1  }
0x15b: {  	v6 =	vsel vm1, v8, v6  }
0x15c: {  	v52 =	vld [tilespmem:s11+$0x70];
	v6 =	vadd.f32 v6, v1;
	[tilespmem:s17+$0xA0] =	vst v3  }
0x15d: {  	v53 =	vsel vm3, v9, v7;
	v54 =	vld [tilespmem:s9+$0xB0]  }
0x15e: {  	v55 =	vld [tilespmem:s9+$0xF0];
	[tilespmem:s17+$0xFFFFFF20] =	vst v6;
	v3 =	vadd.f32 v53, v1  }
0x15f: {  	v56 =	vld [tilespmem:s9+$0xFFFFFF30];
	v2 =	vsel vm2, v2, v5  }
0x160: {  	v58 =	vld [tilespmem:s9+$0xFFFFFF70];
	[tilespmem:s17+$0xFFFFFFA0] =	vst v3;
	v57 =	vadd.f32 v2, v1  }
0x161: {  	v3 =	vld [tilespmem:s9+$0xFFFFFFB0]  }
0x162: {  	v59 =	vld [tilespmem:s9+$0xFFFFFFF0];
	[tilespmem:s17+$0x20] =	vst v57  }
0x163: {  	v60 =	vld [tilespmem:s9+$0x30]  }
0x164: {  	v61 =	vld [tilespmem:s9+$0x70]  }
0x165: {  	v4 =	vsel vm4, v52, v4  }
0x166: {  	v4 =	vadd.f32 v4, v0;
	v6 =	vsel vm0, v55, v54  }
0x167: {  	v6 =	vadd.f32 v6, v0;
	v2 =	vsel vm1, v58, v56  }
0x168: {  	vm15 =	vmmov vm2;
	[tilespmem:s16+$0x30] =	vst v4;
	v2 =	vadd.f32 v2, v0;
	v1 =	vsel vm3, v59, v3  }
.Ltmp5:
0x169: {  	s3 =	sshll.u32 s3, $0x7;
	[tilespmem:s17+$0xB0] =	vst v6;
	v1 =	vadd.f32 v1, v0;
	v62 =	vsel vm15, v61, v60;
	(pc) =	sbr.rel @p0 .LBB2_10-.Ltmp5, $4  }
0x16a: {  	s3 =	sadd.s32 s12, s3;
	[tilespmem:s17+$0xFFFFFF30] =	vst v2;
	v63 =	vadd.f32 v62, v0  }
0x16b: {  	s3 =	sshrl.u32 s3, $0x3;
	[tilespmem:s17+$0xFFFFFFB0] =	vst v1  }
0x16c: {  	s3 =	sadd.s32 s8, s3;
	[tilespmem:s17+$0x30] =	vst v63  }
0x16d: {  	[hbm4b:s3+s18] =	stream.strided.scatter [tilespmem:s28], [sflag:$0x3], $0x8000, s26, s18, $0x38;
	[tilespmem:$0x1B600] =	vst v63  }
0x16e: {  	s0 =	sadd.s32 s0, s14  }
0x16f: {  	s3 =	sshll.u32 s0, $0xC  }
0x170: {  	s0 =	sshll.u32 s0, $0x7;
	s3 =	sand.u32 $0x1F8000, s3  }
.Ltmp6:
0x171: {  	s0 =	sand.u32 $0x380, s0;
	s3 =	sadd.s32 s6, s3;
	(pc) =	sbr.rel .LBB2_2-.Ltmp6, $4  }
0x172: {  	s0 =	sor.u32 s0, s3  }
0x173: {  	s0 =	sshrl.u32 s0, $0x3  }
0x174: {  	s4 =	sadd.s32 $0x1, s4;
	s0 =	sadd.s32 s1, s0  }
0x175: {  	[tilespmem:s21], [sflag:$0x5] =	stream.strided.gather [hbm4b:s0+s18], $0x100, s19, s18, $0x38;
	[tilespmem:$0x1B600] =	vst v63  }
.LBB2_11:
0x176: {  	_ =	sfence.sel $0x180000  }
0x177: {  	[bflag:$0x0] =	sbarrier.arrive $0xFFFF  }
0x178: {  	_ =	strace $0x90000047  }
0x179: {  	s0 =	stileid.u32;
	[bflag:$0x2] =	sbarrier.arrive $0xFFFF  }
0x17a: {  	p0 =	sne.s32 s0, $0x0;
	s0 =	rddreg [dreg:$0x4]  }
0x17b: {  	s0 =	sadd.s32 @!p0 $0x100000, s0  }
0x17c: {  	[sflag:s0] =	ssyncadd.tile.s32 @!p0 $0x1;
	_ =	shalt  }
.Lfunc_end2:
_tile_overlayer_lowered:
.L_overlay_start_2:
0x17d: {  	(tag) =	ssettag $0x2  }
0x17e: {  	s0 =	rddreg [dreg:$0x0];
	s2 =	stileid.u32  }
0x17f: {  	s1 =	rddreg [dreg:$0x1];
	p0 =	sne.s32 s2, $0x0  }
0x180: {  	s3 =	rddreg [dreg:$0x2];
	[bflag:$0x3] =	sbarrier.arrive $0xFFFF;
	s2 =	simm.s32 @!p0 $0x1C06  }
0x181: {  	[timem:s3], [sflag:s2] =	dma.local @!p0 [hbm:s0], s1  }
0x182: {  	s0 =	simm.s32 @!p0 $0x6  }
0x183: {  	_ =	swait.ge @!p0 [sflag:s0], s1  }
0x184: {  	s1 =	ssub.s32 @!p0 $0x0, s1;
	[sflag:s0] =	ssyncset.done @!p0 $0x0  }
0x185: {  	[sflag:s0] =	ssyncadd.s32 @!p0 s1  }
0x186: {  	[bflag:$0x3] =	sbarrier.arrive $0xFFFF  }
0x187: {  	_ =	shalt  }

</sc_bundles>
